<compile_context>
chip_gen: v7x
topology: tpu7x:2x2x1
jax: 0.10.2.dev20260603
libtpu: 0.0.44.dev20260713+nightly
codegen_flags: <defaults>
</compile_context>

<pallas_src>
import functools

import jax
import jax.numpy as jnp
from jax import lax
from jax.experimental import pallas as pl
from jax.experimental.pallas import tpu as pltpu
from jax.experimental.pallas import tpu_sc as plsc

N_NODES_ = 100000
N_EDGES_ = 6400000

NPAD = 100096
PT_NODES = NPAD // 16

CHUNK_A = 10000
CHUNKS_A = (N_EDGES_ // 16) // CHUNK_A
CHUNK_B = 2000
PER_W = N_EDGES_ // 32
CHUNKS_B = PER_W // CHUNK_B
MUL_UNROLL = 5

_MESH = plsc.VectorSubcoreMesh(core_axis_name="c", subcore_axis_name="s")


def _rsqrt16(x):
    i = lax.bitcast_convert_type(x, jnp.int32)
    i = jnp.int32(0x5F3759DF) - lax.shift_right_logical(i, 1)
    y = lax.bitcast_convert_type(i, jnp.float32)
    for _ in range(3):
        y = y * (1.5 - 0.5 * x * y * y)
    return y


@functools.partial(
    pl.kernel,
    mesh=_MESH,
    out_type=jax.ShapeDtypeStruct((2 * NPAD,), jnp.float32),
    scratch_types=[
        pltpu.VMEM_SHARED((NPAD,), jnp.float32),
        pltpu.VMEM((CHUNK_A,), jnp.int32),
        pltpu.VMEM((CHUNK_A,), jnp.float32),
        pltpu.VMEM((CHUNK_A,), jnp.int32),
        pltpu.VMEM((CHUNK_A,), jnp.float32),
        pltpu.VMEM((PT_NODES,), jnp.float32),
        pltpu.SemaphoreType.DMA,
        pltpu.SemaphoreType.DMA,
        pltpu.SemaphoreType.DMA,
        pltpu.SemaphoreType.DMA,
    ],
)
def _norms(ew_hbm, ei_hbm, rs_hbm,
           acc, idx0, val0, idx1, val1, node_v, si0, sv0, si1, sv1):
    cid = lax.axis_index("c")
    sid = lax.axis_index("s")
    nbase = sid * PT_NODES

    def _zero(i, carry):
        node_v[pl.ds(i * 16, 16)] = jnp.zeros((16,), jnp.float32)
        return carry
    lax.fori_loop(0, PT_NODES // 16, _zero, 0)
    pltpu.sync_copy(node_v, acc.at[pl.ds(nbase, PT_NODES)])
    plsc.subcore_barrier()

    def _scat(k, carry):
        b0 = (sid * CHUNKS_A + 2 * k) * CHUNK_A
        b1 = b0 + CHUNK_A
        row = cid * N_EDGES_
        ci0 = pltpu.async_copy(ei_hbm.at[pl.ds(row + b0, CHUNK_A)], idx0, si0)
        cv0 = pltpu.async_copy(ew_hbm.at[pl.ds(b0, CHUNK_A)], val0, sv0)
        ci1 = pltpu.async_copy(ei_hbm.at[pl.ds(row + b1, CHUNK_A)], idx1, si1)
        cv1 = pltpu.async_copy(ew_hbm.at[pl.ds(b1, CHUNK_A)], val1, sv1)
        ci0.wait()
        cv0.wait()
        pltpu.sync_copy(val0, acc.at[idx0], add=True)
        ci1.wait()
        cv1.wait()
        pltpu.sync_copy(val1, acc.at[idx1], add=True)
        return carry
    lax.fori_loop(0, CHUNKS_A // 2, _scat, 0)
    plsc.subcore_barrier()

    pltpu.sync_copy(acc.at[pl.ds(nbase, PT_NODES)], node_v)

    def _rs(i, carry):
        s = pl.ds(i * 16, 16)
        node_v[s] = _rsqrt16(node_v[s])
        return carry
    lax.fori_loop(0, PT_NODES // 16, _rs, 0)
    pltpu.sync_copy(node_v, rs_hbm.at[pl.ds(cid * NPAD + nbase, PT_NODES)])


_PACK_PIECES = ((0, 2000), (2000, 2000), (4000, 2000), (6000, 256))


@functools.partial(
    pl.kernel,
    mesh=_MESH,
    out_type=jax.ShapeDtypeStruct((N_EDGES_,), jnp.float32),
    scratch_types=[
        pltpu.VMEM_SHARED((NPAD,), jnp.int32),
        pltpu.VMEM((NPAD,), jnp.int32),
        pltpu.VMEM((CHUNK_B,), jnp.int32),
        pltpu.VMEM((CHUNK_B,), jnp.int32),
        pltpu.VMEM((CHUNK_B,), jnp.float32),
        pltpu.VMEM((CHUNK_B,), jnp.int32),
        pltpu.VMEM((CHUNK_B,), jnp.int32),
        pltpu.VMEM((CHUNK_B,), jnp.float32),
        pltpu.VMEM((CHUNK_B,), jnp.int32),
    ] + [pltpu.SemaphoreType.DMA] * 8,
    compiler_params=pltpu.CompilerParams(needs_layout_passes=False),
)
def _apply(ew_hbm, ei_hbm, rs_hbm, out_hbm,
           pack_s, tbl_v,
           src0, dst0, ew0, src1, dst1, ew1, pk,
           ss0, sd0, se0, ss1, sd1, se1, so0, so1):
    cid = lax.axis_index("c")
    sid = lax.axis_index("s")
    wid = sid * 2 + cid
    nbase = sid * PT_NODES

    for poff, psz in _PACK_PIECES:
        ca = pltpu.async_copy(rs_hbm.at[pl.ds(nbase + poff, psz)],
                              ew0.at[pl.ds(0, psz)], se0)
        cb = pltpu.async_copy(rs_hbm.at[pl.ds(NPAD + nbase + poff, psz)],
                              ew1.at[pl.ds(0, psz)], se1)
        ca.wait()
        cb.wait()

        def _pk(i, carry):
            s = pl.ds(i * 16, 16)
            ob = lax.bitcast_convert_type(ew0[s], jnp.int32) + jnp.int32(0x8000)
            ib = lax.bitcast_convert_type(ew1[s], jnp.int32) + jnp.int32(0x8000)
            pk[s] = jnp.bitwise_or(
                jnp.bitwise_and(ib, jnp.int32(-65536)),
                lax.shift_right_logical(ob, 16),
            )
            return carry
        lax.fori_loop(0, psz // 16, _pk, 0)
        pltpu.sync_copy(pk.at[pl.ds(0, psz)],
                        pack_s.at[pl.ds(nbase + poff, psz)])
    plsc.subcore_barrier()
    pltpu.sync_copy(pack_s, tbl_v)

    def _mul_store(sv, dv, ev):
        def _mul(i, carry2):
            for u in range(MUL_UNROLL):
                s = pl.ds((i * MUL_UNROLL + u) * 16, 16)
                wa = plsc.load_gather(tbl_v, [sv[s]])
                wb = plsc.load_gather(tbl_v, [dv[s]])
                a = lax.bitcast_convert_type(
                    lax.shift_left(wa, 16), jnp.float32)
                b = lax.bitcast_convert_type(
                    jnp.bitwise_and(wb, jnp.int32(-65536)), jnp.float32)
                ev[s] = a * b * ev[s]
            return carry2
        lax.fori_loop(0, CHUNK_B // (16 * MUL_UNROLL), _mul, 0)

    def _chunk(k, carry):
        p0 = wid * PER_W + (2 * k) * CHUNK_B
        p1 = p0 + CHUNK_B
        cs0 = pltpu.async_copy(ei_hbm.at[pl.ds(p0, CHUNK_B)], src0, ss0)
        cd0 = pltpu.async_copy(ei_hbm.at[pl.ds(N_EDGES_ + p0, CHUNK_B)], dst0, sd0)
        ce0 = pltpu.async_copy(ew_hbm.at[pl.ds(p0, CHUNK_B)], ew0, se0)
        cs1 = pltpu.async_copy(ei_hbm.at[pl.ds(p1, CHUNK_B)], src1, ss1)
        cd1 = pltpu.async_copy(ei_hbm.at[pl.ds(N_EDGES_ + p1, CHUNK_B)], dst1, sd1)
        ce1 = pltpu.async_copy(ew_hbm.at[pl.ds(p1, CHUNK_B)], ew1, se1)
        cs0.wait()
        cd0.wait()
        ce0.wait()
        _mul_store(src0, dst0, ew0)
        co0 = pltpu.async_copy(ew0, out_hbm.at[pl.ds(p0, CHUNK_B)], so0)
        cs1.wait()
        cd1.wait()
        ce1.wait()
        _mul_store(src1, dst1, ew1)
        co1 = pltpu.async_copy(ew1, out_hbm.at[pl.ds(p1, CHUNK_B)], so1)
        co0.wait()
        co1.wait()
        return carry
    lax.fori_loop(0, CHUNKS_B // 2, _chunk, 0)


@jax.jit
def kernel(edge_weight, edge_index):
    ew = edge_weight.astype(jnp.float32)
    idx = edge_index.astype(jnp.int32).reshape(-1)
    rs = _norms(ew, idx)
    return _apply(ew, idx, rs)

# --- scband reference (transcript-rebuilt; emitter-appended) ---
"""Pipeline reference for scband-edge-weight-norm-5214090297413 (READ-ONLY COPY).

The authoritative reference and input builder live on the scoring server;
editing this copy changes nothing except your own understanding.
"""

import jax, jax.numpy as jnp
import numpy as np

N_NODES = 100000
N_EDGES = 6400000
EPS = 0.0

def setup_inputs(seed: int = 0) -> dict:
    key = jax.random.key(seed)
    k1, k2 = jax.random.split(key)
    # strictly positive scalar edge weights (required for norm='both')
    edge_weight = jax.random.uniform(k1, (N_EDGES,), dtype=jnp.float32, minval=1e-4, maxval=1.0)
    edge_index = jax.random.randint(k2, (2, N_EDGES), 0, N_NODES, dtype=jnp.int64)
    return {"edge_weight": edge_weight, "edge_index": edge_index}

def reference(edge_weight, edge_index):
    # EdgeWeightNorm with norm='both':
    # c_ji = sqrt(sum_k e_jk) * sqrt(sum_k e_ki); returns e_ji / c_ji
    src = edge_index[0]
    dst = edge_index[1]
    # reversed-graph update_all(copy_e, sum) -> per-src-node sum of outgoing edge weights
    out_w = jax.ops.segment_sum(edge_weight, src, num_segments=N_NODES)
    # forward update_all(copy_e, sum) -> per-dst-node sum of incoming edge weights
    in_w = jax.ops.segment_sum(edge_weight, dst, num_segments=N_NODES)
    src_out_w = jnp.power(out_w + EPS, -0.5)
    dst_in_w = jnp.power(in_w + EPS, -0.5)
    # apply_edges: e.src['_src_out_w'] * e.dst['_dst_in_w'] * e.data['_edge_w']
    norm_edge_weights = src_out_w[src] * dst_in_w[dst] * edge_weight
    return norm_edge_weights

if __name__ == "__main__":
    import jax
    _d = setup_inputs()
    print(jax.jit(kernel)(*tuple(_d.values())))

</pallas_src>

<mosaic_0001>
#map = affine_map<(d0, d1) -> (0)>
module attributes {stable_mosaic.version = 14 : i64} {
  func.func @_apply(%arg0: i32, %arg1: i32, %arg2: memref<6400000xf32, #tpu.memory_space<hbm>>, %arg3: memref<12800000xi32, #tpu.memory_space<hbm>>, %arg4: memref<200192xf32, #tpu.memory_space<hbm>>, %arg5: memref<6400000xf32, #tpu.memory_space<hbm>>, %arg6: memref<100096xi32, #tpu.memory_space<vmem_shared>>, %arg7: memref<100096xi32, #tpu.memory_space<vmem>>, %arg8: memref<2000xi32, #tpu.memory_space<vmem>>, %arg9: memref<2000xi32, #tpu.memory_space<vmem>>, %arg10: memref<2000xf32, #tpu.memory_space<vmem>>, %arg11: memref<2000xi32, #tpu.memory_space<vmem>>, %arg12: memref<2000xi32, #tpu.memory_space<vmem>>, %arg13: memref<2000xf32, #tpu.memory_space<vmem>>, %arg14: memref<2000xi32, #tpu.memory_space<vmem>>, %arg15: memref<!tpu.dma_semaphore, #tpu.memory_space<semaphore_mem>>, %arg16: memref<!tpu.dma_semaphore, #tpu.memory_space<semaphore_mem>>, %arg17: memref<!tpu.dma_semaphore, #tpu.memory_space<semaphore_mem>>, %arg18: memref<!tpu.dma_semaphore, #tpu.memory_space<semaphore_mem>>, %arg19: memref<!tpu.dma_semaphore, #tpu.memory_space<semaphore_mem>>, %arg20: memref<!tpu.dma_semaphore, #tpu.memory_space<semaphore_mem>>, %arg21: memref<!tpu.dma_semaphore, #tpu.memory_space<semaphore_mem>>, %arg22: memref<!tpu.dma_semaphore, #tpu.memory_space<semaphore_mem>>) attributes {dimension_semantics = [#tpu.dimension_semantics<core_parallel>, #tpu.dimension_semantics<subcore_parallel>], iteration_bounds = array<i64: 2, 16>, scalar_prefetch = 0 : i64, scratch_operands = 17 : i64, tpu.core_type = #tpu.core_type<sc_vector_subcore>, window_params = [{transform_indices = #map}, {transform_indices = #map}, {transform_indices = #map}, {transform_indices = #map}]} {
    %mul3A = arith.constant 2 : i32
    %mul3A_0 = arith.muli %arg1, %mul3A : i32
    %add3A = arith.addi %mul3A_0, %arg0 : i32
    %mul3A_1 = arith.constant 6256 : i32
    %mul3A_2 = arith.muli %arg1, %mul3A_1 : i32
    %add3A_3 = arith.constant 0 : i32
    %add3A_4 = arith.addi %mul3A_2, %add3A_3 : i32
    %dma_start3A = arith.constant 0 : i32
    %dma_start3A_5 = tpu.memref_slice %arg10[%dma_start3A] : memref<2000xf32, #tpu.memory_space<vmem>> -> memref<2000xf32, #tpu.memory_space<vmem>>
    %dma_start3A_6 = tpu.memref_slice %arg4[%add3A_4] : memref<200192xf32, #tpu.memory_space<hbm>> -> memref<2000xf32, #tpu.memory_space<hbm>>
    %dma_start3A_7 = arith.constant 0 : i32
    %dma_start3A_8 = tpu.memref_slice %arg10[%dma_start3A_7] : memref<2000xf32, #tpu.memory_space<vmem>> -> memref<2000xf32, #tpu.memory_space<vmem>>
    %dma_start3A_9 = tpu.memref_slice %arg4[%add3A_4] : memref<200192xf32, #tpu.memory_space<hbm>> -> memref<2000xf32, #tpu.memory_space<hbm>>
    tpu.enqueue_dma source(%dma_start3A_9 : memref<2000xf32, #tpu.memory_space<hbm>>) target(%dma_start3A_8 : memref<2000xf32, #tpu.memory_space<vmem>>) target_semaphore(%arg17 : memref<!tpu.dma_semaphore, #tpu.memory_space<semaphore_mem>>)
    %add3A_10 = arith.constant 100096 : i32
    %add3A_11 = arith.addi %add3A_10, %mul3A_2 : i32
    %add3A_12 = arith.constant 0 : i32
    %add3A_13 = arith.addi %add3A_11, %add3A_12 : i32
    %dma_start3A_14 = arith.constant 0 : i32
    %dma_start3A_15 = tpu.memref_slice %arg13[%dma_start3A_14] : memref<2000xf32, #tpu.memory_space<vmem>> -> memref<2000xf32, #tpu.memory_space<vmem>>
    %dma_start3A_16 = tpu.memref_slice %arg4[%add3A_13] : memref<200192xf32, #tpu.memory_space<hbm>> -> memref<2000xf32, #tpu.memory_space<hbm>>
    %dma_start3A_17 = arith.constant 0 : i32
    %dma_start3A_18 = tpu.memref_slice %arg13[%dma_start3A_17] : memref<2000xf32, #tpu.memory_space<vmem>> -> memref<2000xf32, #tpu.memory_space<vmem>>
    %dma_start3A_19 = tpu.memref_slice %arg4[%add3A_13] : memref<200192xf32, #tpu.memory_space<hbm>> -> memref<2000xf32, #tpu.memory_space<hbm>>
    tpu.enqueue_dma source(%dma_start3A_19 : memref<2000xf32, #tpu.memory_space<hbm>>) target(%dma_start3A_18 : memref<2000xf32, #tpu.memory_space<vmem>>) target_semaphore(%arg20 : memref<!tpu.dma_semaphore, #tpu.memory_space<semaphore_mem>>)
    %dma_wait3A = arith.constant 0 : i32
    %dma_wait3A_20 = tpu.memref_slice %arg10[%dma_wait3A] : memref<2000xf32, #tpu.memory_space<vmem>> -> memref<2000xf32, #tpu.memory_space<vmem>>
    %dma_wait3A_21 = tpu.memref_slice %arg4[%add3A_4] : memref<200192xf32, #tpu.memory_space<hbm>> -> memref<2000xf32, #tpu.memory_space<hbm>>
    %dma_wait3A_22 = arith.constant 0 : i32
    %dma_wait3A_23 = tpu.memref_slice %arg10[%dma_wait3A_22] : memref<2000xf32, #tpu.memory_space<vmem>> -> memref<2000xf32, #tpu.memory_space<vmem>>
    %dma_wait3A_24 = tpu.memref_slice %arg4[%add3A_4] : memref<200192xf32, #tpu.memory_space<hbm>> -> memref<2000xf32, #tpu.memory_space<hbm>>
    tpu.wait_dma2 semaphore(%arg17 : memref<!tpu.dma_semaphore, #tpu.memory_space<semaphore_mem>>) src(%dma_wait3A_24 : memref<2000xf32, #tpu.memory_space<hbm>>) dst(%dma_wait3A_23 : memref<2000xf32, #tpu.memory_space<vmem>>)
    %dma_wait3A_25 = arith.constant 0 : i32
    %dma_wait3A_26 = tpu.memref_slice %arg13[%dma_wait3A_25] : memref<2000xf32, #tpu.memory_space<vmem>> -> memref<2000xf32, #tpu.memory_space<vmem>>
    %dma_wait3A_27 = tpu.memref_slice %arg4[%add3A_13] : memref<200192xf32, #tpu.memory_space<hbm>> -> memref<2000xf32, #tpu.memory_space<hbm>>
    %dma_wait3A_28 = arith.constant 0 : i32
    %dma_wait3A_29 = tpu.memref_slice %arg13[%dma_wait3A_28] : memref<2000xf32, #tpu.memory_space<vmem>> -> memref<2000xf32, #tpu.memory_space<vmem>>
    %dma_wait3A_30 = tpu.memref_slice %arg4[%add3A_13] : memref<200192xf32, #tpu.memory_space<hbm>> -> memref<2000xf32, #tpu.memory_space<hbm>>
    tpu.wait_dma2 semaphore(%arg20 : memref<!tpu.dma_semaphore, #tpu.memory_space<semaphore_mem>>) src(%dma_wait3A_30 : memref<2000xf32, #tpu.memory_space<hbm>>) dst(%dma_wait3A_29 : memref<2000xf32, #tpu.memory_space<vmem>>)
    %scan3A = arith.constant 0 : i32
    %scan3A_31 = arith.constant 0 : i32
    %scan3A_32 = arith.constant 125 : i32
    %scan3A_33 = arith.addi %scan3A_31, %scan3A_32 : i32
    %scan3A_34 = arith.constant 1 : i32
    scf.for %scan3A_158 = %scan3A_31 to %scan3A_33 step %scan3A_34  : i32 {
      %mul3A_159 = arith.constant 16 : i32
      %mul3A_160 = arith.muli %scan3A_158, %mul3A_159 : i32
      %get3A = arith.index_cast %mul3A_160 : i32 to index
      %get3A_161 = tpu.vector_load %arg10[%get3A] {strides = array<i32>} : memref<2000xf32, #tpu.memory_space<vmem>>, vector<16xf32>,
      %bitcast_convert_type3A = tpu.bitcast %get3A_161 : vector<16xf32> -> vector<16xi32>
      %add3A_162 = arith.constant 32768 : i32
      %add3A_163 = vector.broadcast %add3A_162 : i32 to vector<16xi32>
      %add3A_164 = arith.addi %bitcast_convert_type3A, %add3A_163 : vector<16xi32>
      %get3A_165 = arith.index_cast %mul3A_160 : i32 to index
      %get3A_166 = tpu.vector_load %arg13[%get3A_165] {strides = array<i32>} : memref<2000xf32, #tpu.memory_space<vmem>>, vector<16xf32>,
      %bitcast_convert_type3A_167 = tpu.bitcast %get3A_166 : vector<16xf32> -> vector<16xi32>
      %add3A_168 = arith.constant 32768 : i32
      %add3A_169 = vector.broadcast %add3A_168 : i32 to vector<16xi32>
      %add3A_170 = arith.addi %bitcast_convert_type3A_167, %add3A_169 : vector<16xi32>
      %and3A = arith.constant -65536 : i32
      %and3A_171 = vector.broadcast %and3A : i32 to vector<16xi32>
      %and3A_172 = arith.andi %add3A_170, %and3A_171 : vector<16xi32>
      %shift_right_logical3A = arith.constant 16 : i32
      %shift_right_logical3A_173 = vector.broadcast %shift_right_logical3A : i32 to vector<16xi32>
      %shift_right_logical3A_174 = arith.shrui %add3A_164, %shift_right_logical3A_173 : vector<16xi32>
      %or3A = arith.ori %and3A_172, %shift_right_logical3A_174 : vector<16xi32>
      %swap3A = arith.index_cast %mul3A_160 : i32 to index
      %swap3A_175 = tpu.vector_load %arg14[%swap3A] {strides = array<i32>} : memref<2000xi32, #tpu.memory_space<vmem>>, vector<16xi32>,
      tpu.vector_store %arg14[%swap3A], %or3A {strides = array<i32>} : memref<2000xi32, #tpu.memory_space<vmem>>, vector<16xi32>,
    }
    %scan3A_35 = arith.constant 125 : i32
    %add3A_36 = arith.constant 0 : i32
    %add3A_37 = arith.addi %mul3A_2, %add3A_36 : i32
    "tpu.region"() ({
      %run_scoped3A = tpu.sem_alloc : memref<!tpu.dma_semaphore, #tpu.memory_space<semaphore_mem>>
      %dma_start3A_158 = arith.constant 0 : i32
      %dma_start3A_159 = tpu.memref_slice %arg14[%dma_start3A_158] : memref<2000xi32, #tpu.memory_space<vmem>> -> memref<2000xi32, #tpu.memory_space<vmem>>
      %dma_start3A_160 = tpu.memref_slice %arg6[%add3A_37] : memref<100096xi32, #tpu.memory_space<vmem_shared>> -> memref<2000xi32, #tpu.memory_space<vmem_shared>>
      %dma_start3A_161 = tpu.memref_slice %arg6[%add3A_37] : memref<100096xi32, #tpu.memory_space<vmem_shared>> -> memref<2000xi32, #tpu.memory_space<vmem_shared>>
      %dma_start3A_162 = arith.constant 0 : i32
      %dma_start3A_163 = tpu.memref_slice %arg14[%dma_start3A_162] : memref<2000xi32, #tpu.memory_space<vmem>> -> memref<2000xi32, #tpu.memory_space<vmem>>
      tpu.enqueue_dma source(%dma_start3A_163 : memref<2000xi32, #tpu.memory_space<vmem>>) target(%dma_start3A_161 : memref<2000xi32, #tpu.memory_space<vmem_shared>>) target_semaphore(%run_scoped3A : memref<!tpu.dma_semaphore, #tpu.memory_space<semaphore_mem>>)
      %dma_wait3A_164 = arith.constant 0 : i32
      %dma_wait3A_165 = tpu.memref_slice %arg14[%dma_wait3A_164] : memref<2000xi32, #tpu.memory_space<vmem>> -> memref<2000xi32, #tpu.memory_space<vmem>>
      %dma_wait3A_166 = tpu.memref_slice %arg6[%add3A_37] : memref<100096xi32, #tpu.memory_space<vmem_shared>> -> memref<2000xi32, #tpu.memory_space<vmem_shared>>
      %dma_wait3A_167 = tpu.memref_slice %arg6[%add3A_37] : memref<100096xi32, #tpu.memory_space<vmem_shared>> -> memref<2000xi32, #tpu.memory_space<vmem_shared>>
      %dma_wait3A_168 = arith.constant 0 : i32
      %dma_wait3A_169 = tpu.memref_slice %arg14[%dma_wait3A_168] : memref<2000xi32, #tpu.memory_space<vmem>> -> memref<2000xi32, #tpu.memory_space<vmem>>
      tpu.wait_dma2 semaphore(%run_scoped3A : memref<!tpu.dma_semaphore, #tpu.memory_space<semaphore_mem>>) src(%dma_wait3A_169 : memref<2000xi32, #tpu.memory_space<vmem>>) dst(%dma_wait3A_167 : memref<2000xi32, #tpu.memory_space<vmem_shared>>)
      tpu.yield
    }) : () -> ()
    %add3A_38 = arith.constant 2000 : i32
    %add3A_39 = arith.addi %mul3A_2, %add3A_38 : i32
    %dma_start3A_40 = arith.constant 0 : i32
    %dma_start3A_41 = tpu.memref_slice %arg10[%dma_start3A_40] : memref<2000xf32, #tpu.memory_space<vmem>> -> memref<2000xf32, #tpu.memory_space<vmem>>
    %dma_start3A_42 = tpu.memref_slice %arg4[%add3A_39] : memref<200192xf32, #tpu.memory_space<hbm>> -> memref<2000xf32, #tpu.memory_space<hbm>>
    %dma_start3A_43 = arith.constant 0 : i32
    %dma_start3A_44 = tpu.memref_slice %arg10[%dma_start3A_43] : memref<2000xf32, #tpu.memory_space<vmem>> -> memref<2000xf32, #tpu.memory_space<vmem>>
    %dma_start3A_45 = tpu.memref_slice %arg4[%add3A_39] : memref<200192xf32, #tpu.memory_space<hbm>> -> memref<2000xf32, #tpu.memory_space<hbm>>
    tpu.enqueue_dma source(%dma_start3A_45 : memref<2000xf32, #tpu.memory_space<hbm>>) target(%dma_start3A_44 : memref<2000xf32, #tpu.memory_space<vmem>>) target_semaphore(%arg17 : memref<!tpu.dma_semaphore, #tpu.memory_space<semaphore_mem>>)
    %add3A_46 = arith.constant 100096 : i32
    %add3A_47 = arith.addi %add3A_46, %mul3A_2 : i32
    %add3A_48 = arith.constant 2000 : i32
    %add3A_49 = arith.addi %add3A_47, %add3A_48 : i32
    %dma_start3A_50 = arith.constant 0 : i32
    %dma_start3A_51 = tpu.memref_slice %arg13[%dma_start3A_50] : memref<2000xf32, #tpu.memory_space<vmem>> -> memref<2000xf32, #tpu.memory_space<vmem>>
    %dma_start3A_52 = tpu.memref_slice %arg4[%add3A_49] : memref<200192xf32, #tpu.memory_space<hbm>> -> memref<2000xf32, #tpu.memory_space<hbm>>
    %dma_start3A_53 = arith.constant 0 : i32
    %dma_start3A_54 = tpu.memref_slice %arg13[%dma_start3A_53] : memref<2000xf32, #tpu.memory_space<vmem>> -> memref<2000xf32, #tpu.memory_space<vmem>>
    %dma_start3A_55 = tpu.memref_slice %arg4[%add3A_49] : memref<200192xf32, #tpu.memory_space<hbm>> -> memref<2000xf32, #tpu.memory_space<hbm>>
    tpu.enqueue_dma source(%dma_start3A_55 : memref<2000xf32, #tpu.memory_space<hbm>>) target(%dma_start3A_54 : memref<2000xf32, #tpu.memory_space<vmem>>) target_semaphore(%arg20 : memref<!tpu.dma_semaphore, #tpu.memory_space<semaphore_mem>>)
    %dma_wait3A_56 = arith.constant 0 : i32
    %dma_wait3A_57 = tpu.memref_slice %arg10[%dma_wait3A_56] : memref<2000xf32, #tpu.memory_space<vmem>> -> memref<2000xf32, #tpu.memory_space<vmem>>
    %dma_wait3A_58 = tpu.memref_slice %arg4[%add3A_39] : memref<200192xf32, #tpu.memory_space<hbm>> -> memref<2000xf32, #tpu.memory_space<hbm>>
    %dma_wait3A_59 = arith.constant 0 : i32
    %dma_wait3A_60 = tpu.memref_slice %arg10[%dma_wait3A_59] : memref<2000xf32, #tpu.memory_space<vmem>> -> memref<2000xf32, #tpu.memory_space<vmem>>
    %dma_wait3A_61 = tpu.memref_slice %arg4[%add3A_39] : memref<200192xf32, #tpu.memory_space<hbm>> -> memref<2000xf32, #tpu.memory_space<hbm>>
    tpu.wait_dma2 semaphore(%arg17 : memref<!tpu.dma_semaphore, #tpu.memory_space<semaphore_mem>>) src(%dma_wait3A_61 : memref<2000xf32, #tpu.memory_space<hbm>>) dst(%dma_wait3A_60 : memref<2000xf32, #tpu.memory_space<vmem>>)
    %dma_wait3A_62 = arith.constant 0 : i32
    %dma_wait3A_63 = tpu.memref_slice %arg13[%dma_wait3A_62] : memref<2000xf32, #tpu.memory_space<vmem>> -> memref<2000xf32, #tpu.memory_space<vmem>>
    %dma_wait3A_64 = tpu.memref_slice %arg4[%add3A_49] : memref<200192xf32, #tpu.memory_space<hbm>> -> memref<2000xf32, #tpu.memory_space<hbm>>
    %dma_wait3A_65 = arith.constant 0 : i32
    %dma_wait3A_66 = tpu.memref_slice %arg13[%dma_wait3A_65] : memref<2000xf32, #tpu.memory_space<vmem>> -> memref<2000xf32, #tpu.memory_space<vmem>>
    %dma_wait3A_67 = tpu.memref_slice %arg4[%add3A_49] : memref<200192xf32, #tpu.memory_space<hbm>> -> memref<2000xf32, #tpu.memory_space<hbm>>
    tpu.wait_dma2 semaphore(%arg20 : memref<!tpu.dma_semaphore, #tpu.memory_space<semaphore_mem>>) src(%dma_wait3A_67 : memref<2000xf32, #tpu.memory_space<hbm>>) dst(%dma_wait3A_66 : memref<2000xf32, #tpu.memory_space<vmem>>)
    %scan3A_68 = arith.constant 0 : i32
    %scan3A_69 = arith.constant 0 : i32
    %scan3A_70 = arith.constant 125 : i32
    %scan3A_71 = arith.addi %scan3A_69, %scan3A_70 : i32
    %scan3A_72 = arith.constant 1 : i32
    scf.for %scan3A_158 = %scan3A_69 to %scan3A_71 step %scan3A_72  : i32 {
      %mul3A_159 = arith.constant 16 : i32
      %mul3A_160 = arith.muli %scan3A_158, %mul3A_159 : i32
      %get3A = arith.index_cast %mul3A_160 : i32 to index
      %get3A_161 = tpu.vector_load %arg10[%get3A] {strides = array<i32>} : memref<2000xf32, #tpu.memory_space<vmem>>, vector<16xf32>,
      %bitcast_convert_type3A = tpu.bitcast %get3A_161 : vector<16xf32> -> vector<16xi32>
      %add3A_162 = arith.constant 32768 : i32
      %add3A_163 = vector.broadcast %add3A_162 : i32 to vector<16xi32>
      %add3A_164 = arith.addi %bitcast_convert_type3A, %add3A_163 : vector<16xi32>
      %get3A_165 = arith.index_cast %mul3A_160 : i32 to index
      %get3A_166 = tpu.vector_load %arg13[%get3A_165] {strides = array<i32>} : memref<2000xf32, #tpu.memory_space<vmem>>, vector<16xf32>,
      %bitcast_convert_type3A_167 = tpu.bitcast %get3A_166 : vector<16xf32> -> vector<16xi32>
      %add3A_168 = arith.constant 32768 : i32
      %add3A_169 = vector.broadcast %add3A_168 : i32 to vector<16xi32>
      %add3A_170 = arith.addi %bitcast_convert_type3A_167, %add3A_169 : vector<16xi32>
      %and3A = arith.constant -65536 : i32
      %and3A_171 = vector.broadcast %and3A : i32 to vector<16xi32>
      %and3A_172 = arith.andi %add3A_170, %and3A_171 : vector<16xi32>
      %shift_right_logical3A = arith.constant 16 : i32
      %shift_right_logical3A_173 = vector.broadcast %shift_right_logical3A : i32 to vector<16xi32>
      %shift_right_logical3A_174 = arith.shrui %add3A_164, %shift_right_logical3A_173 : vector<16xi32>
      %or3A = arith.ori %and3A_172, %shift_right_logical3A_174 : vector<16xi32>
      %swap3A = arith.index_cast %mul3A_160 : i32 to index
      %swap3A_175 = tpu.vector_load %arg14[%swap3A] {strides = array<i32>} : memref<2000xi32, #tpu.memory_space<vmem>>, vector<16xi32>,
      tpu.vector_store %arg14[%swap3A], %or3A {strides = array<i32>} : memref<2000xi32, #tpu.memory_space<vmem>>, vector<16xi32>,
    }
    %scan3A_73 = arith.constant 125 : i32
    %add3A_74 = arith.constant 2000 : i32
    %add3A_75 = arith.addi %mul3A_2, %add3A_74 : i32
    "tpu.region"() ({
      %run_scoped3A = tpu.sem_alloc : memref<!tpu.dma_semaphore, #tpu.memory_space<semaphore_mem>>
      %dma_start3A_158 = arith.constant 0 : i32
      %dma_start3A_159 = tpu.memref_slice %arg14[%dma_start3A_158] : memref<2000xi32, #tpu.memory_space<vmem>> -> memref<2000xi32, #tpu.memory_space<vmem>>
      %dma_start3A_160 = tpu.memref_slice %arg6[%add3A_75] : memref<100096xi32, #tpu.memory_space<vmem_shared>> -> memref<2000xi32, #tpu.memory_space<vmem_shared>>
      %dma_start3A_161 = tpu.memref_slice %arg6[%add3A_75] : memref<100096xi32, #tpu.memory_space<vmem_shared>> -> memref<2000xi32, #tpu.memory_space<vmem_shared>>
      %dma_start3A_162 = arith.constant 0 : i32
      %dma_start3A_163 = tpu.memref_slice %arg14[%dma_start3A_162] : memref<2000xi32, #tpu.memory_space<vmem>> -> memref<2000xi32, #tpu.memory_space<vmem>>
      tpu.enqueue_dma source(%dma_start3A_163 : memref<2000xi32, #tpu.memory_space<vmem>>) target(%dma_start3A_161 : memref<2000xi32, #tpu.memory_space<vmem_shared>>) target_semaphore(%run_scoped3A : memref<!tpu.dma_semaphore, #tpu.memory_space<semaphore_mem>>)
      %dma_wait3A_164 = arith.constant 0 : i32
      %dma_wait3A_165 = tpu.memref_slice %arg14[%dma_wait3A_164] : memref<2000xi32, #tpu.memory_space<vmem>> -> memref<2000xi32, #tpu.memory_space<vmem>>
      %dma_wait3A_166 = tpu.memref_slice %arg6[%add3A_75] : memref<100096xi32, #tpu.memory_space<vmem_shared>> -> memref<2000xi32, #tpu.memory_space<vmem_shared>>
      %dma_wait3A_167 = tpu.memref_slice %arg6[%add3A_75] : memref<100096xi32, #tpu.memory_space<vmem_shared>> -> memref<2000xi32, #tpu.memory_space<vmem_shared>>
      %dma_wait3A_168 = arith.constant 0 : i32
      %dma_wait3A_169 = tpu.memref_slice %arg14[%dma_wait3A_168] : memref<2000xi32, #tpu.memory_space<vmem>> -> memref<2000xi32, #tpu.memory_space<vmem>>
      tpu.wait_dma2 semaphore(%run_scoped3A : memref<!tpu.dma_semaphore, #tpu.memory_space<semaphore_mem>>) src(%dma_wait3A_169 : memref<2000xi32, #tpu.memory_space<vmem>>) dst(%dma_wait3A_167 : memref<2000xi32, #tpu.memory_space<vmem_shared>>)
      tpu.yield
    }) : () -> ()
    %add3A_76 = arith.constant 4000 : i32
    %add3A_77 = arith.addi %mul3A_2, %add3A_76 : i32
    %dma_start3A_78 = arith.constant 0 : i32
    %dma_start3A_79 = tpu.memref_slice %arg10[%dma_start3A_78] : memref<2000xf32, #tpu.memory_space<vmem>> -> memref<2000xf32, #tpu.memory_space<vmem>>
    %dma_start3A_80 = tpu.memref_slice %arg4[%add3A_77] : memref<200192xf32, #tpu.memory_space<hbm>> -> memref<2000xf32, #tpu.memory_space<hbm>>
    %dma_start3A_81 = arith.constant 0 : i32
    %dma_start3A_82 = tpu.memref_slice %arg10[%dma_start3A_81] : memref<2000xf32, #tpu.memory_space<vmem>> -> memref<2000xf32, #tpu.memory_space<vmem>>
    %dma_start3A_83 = tpu.memref_slice %arg4[%add3A_77] : memref<200192xf32, #tpu.memory_space<hbm>> -> memref<2000xf32, #tpu.memory_space<hbm>>
    tpu.enqueue_dma source(%dma_start3A_83 : memref<2000xf32, #tpu.memory_space<hbm>>) target(%dma_start3A_82 : memref<2000xf32, #tpu.memory_space<vmem>>) target_semaphore(%arg17 : memref<!tpu.dma_semaphore, #tpu.memory_space<semaphore_mem>>)
    %add3A_84 = arith.constant 100096 : i32
    %add3A_85 = arith.addi %add3A_84, %mul3A_2 : i32
    %add3A_86 = arith.constant 4000 : i32
    %add3A_87 = arith.addi %add3A_85, %add3A_86 : i32
    %dma_start3A_88 = arith.constant 0 : i32
    %dma_start3A_89 = tpu.memref_slice %arg13[%dma_start3A_88] : memref<2000xf32, #tpu.memory_space<vmem>> -> memref<2000xf32, #tpu.memory_space<vmem>>
    %dma_start3A_90 = tpu.memref_slice %arg4[%add3A_87] : memref<200192xf32, #tpu.memory_space<hbm>> -> memref<2000xf32, #tpu.memory_space<hbm>>
    %dma_start3A_91 = arith.constant 0 : i32
    %dma_start3A_92 = tpu.memref_slice %arg13[%dma_start3A_91] : memref<2000xf32, #tpu.memory_space<vmem>> -> memref<2000xf32, #tpu.memory_space<vmem>>
    %dma_start3A_93 = tpu.memref_slice %arg4[%add3A_87] : memref<200192xf32, #tpu.memory_space<hbm>> -> memref<2000xf32, #tpu.memory_space<hbm>>
    tpu.enqueue_dma source(%dma_start3A_93 : memref<2000xf32, #tpu.memory_space<hbm>>) target(%dma_start3A_92 : memref<2000xf32, #tpu.memory_space<vmem>>) target_semaphore(%arg20 : memref<!tpu.dma_semaphore, #tpu.memory_space<semaphore_mem>>)
    %dma_wait3A_94 = arith.constant 0 : i32
    %dma_wait3A_95 = tpu.memref_slice %arg10[%dma_wait3A_94] : memref<2000xf32, #tpu.memory_space<vmem>> -> memref<2000xf32, #tpu.memory_space<vmem>>
    %dma_wait3A_96 = tpu.memref_slice %arg4[%add3A_77] : memref<200192xf32, #tpu.memory_space<hbm>> -> memref<2000xf32, #tpu.memory_space<hbm>>
    %dma_wait3A_97 = arith.constant 0 : i32
    %dma_wait3A_98 = tpu.memref_slice %arg10[%dma_wait3A_97] : memref<2000xf32, #tpu.memory_space<vmem>> -> memref<2000xf32, #tpu.memory_space<vmem>>
    %dma_wait3A_99 = tpu.memref_slice %arg4[%add3A_77] : memref<200192xf32, #tpu.memory_space<hbm>> -> memref<2000xf32, #tpu.memory_space<hbm>>
    tpu.wait_dma2 semaphore(%arg17 : memref<!tpu.dma_semaphore, #tpu.memory_space<semaphore_mem>>) src(%dma_wait3A_99 : memref<2000xf32, #tpu.memory_space<hbm>>) dst(%dma_wait3A_98 : memref<2000xf32, #tpu.memory_space<vmem>>)
    %dma_wait3A_100 = arith.constant 0 : i32
    %dma_wait3A_101 = tpu.memref_slice %arg13[%dma_wait3A_100] : memref<2000xf32, #tpu.memory_space<vmem>> -> memref<2000xf32, #tpu.memory_space<vmem>>
    %dma_wait3A_102 = tpu.memref_slice %arg4[%add3A_87] : memref<200192xf32, #tpu.memory_space<hbm>> -> memref<2000xf32, #tpu.memory_space<hbm>>
    %dma_wait3A_103 = arith.constant 0 : i32
    %dma_wait3A_104 = tpu.memref_slice %arg13[%dma_wait3A_103] : memref<2000xf32, #tpu.memory_space<vmem>> -> memref<2000xf32, #tpu.memory_space<vmem>>
    %dma_wait3A_105 = tpu.memref_slice %arg4[%add3A_87] : memref<200192xf32, #tpu.memory_space<hbm>> -> memref<2000xf32, #tpu.memory_space<hbm>>
    tpu.wait_dma2 semaphore(%arg20 : memref<!tpu.dma_semaphore, #tpu.memory_space<semaphore_mem>>) src(%dma_wait3A_105 : memref<2000xf32, #tpu.memory_space<hbm>>) dst(%dma_wait3A_104 : memref<2000xf32, #tpu.memory_space<vmem>>)
    %scan3A_106 = arith.constant 0 : i32
    %scan3A_107 = arith.constant 0 : i32
    %scan3A_108 = arith.constant 125 : i32
    %scan3A_109 = arith.addi %scan3A_107, %scan3A_108 : i32
    %scan3A_110 = arith.constant 1 : i32
    scf.for %scan3A_158 = %scan3A_107 to %scan3A_109 step %scan3A_110  : i32 {
      %mul3A_159 = arith.constant 16 : i32
      %mul3A_160 = arith.muli %scan3A_158, %mul3A_159 : i32
      %get3A = arith.index_cast %mul3A_160 : i32 to index
      %get3A_161 = tpu.vector_load %arg10[%get3A] {strides = array<i32>} : memref<2000xf32, #tpu.memory_space<vmem>>, vector<16xf32>,
      %bitcast_convert_type3A = tpu.bitcast %get3A_161 : vector<16xf32> -> vector<16xi32>
      %add3A_162 = arith.constant 32768 : i32
      %add3A_163 = vector.broadcast %add3A_162 : i32 to vector<16xi32>
      %add3A_164 = arith.addi %bitcast_convert_type3A, %add3A_163 : vector<16xi32>
      %get3A_165 = arith.index_cast %mul3A_160 : i32 to index
      %get3A_166 = tpu.vector_load %arg13[%get3A_165] {strides = array<i32>} : memref<2000xf32, #tpu.memory_space<vmem>>, vector<16xf32>,
      %bitcast_convert_type3A_167 = tpu.bitcast %get3A_166 : vector<16xf32> -> vector<16xi32>
      %add3A_168 = arith.constant 32768 : i32
      %add3A_169 = vector.broadcast %add3A_168 : i32 to vector<16xi32>
      %add3A_170 = arith.addi %bitcast_convert_type3A_167, %add3A_169 : vector<16xi32>
      %and3A = arith.constant -65536 : i32
      %and3A_171 = vector.broadcast %and3A : i32 to vector<16xi32>
      %and3A_172 = arith.andi %add3A_170, %and3A_171 : vector<16xi32>
      %shift_right_logical3A = arith.constant 16 : i32
      %shift_right_logical3A_173 = vector.broadcast %shift_right_logical3A : i32 to vector<16xi32>
      %shift_right_logical3A_174 = arith.shrui %add3A_164, %shift_right_logical3A_173 : vector<16xi32>
      %or3A = arith.ori %and3A_172, %shift_right_logical3A_174 : vector<16xi32>
      %swap3A = arith.index_cast %mul3A_160 : i32 to index
      %swap3A_175 = tpu.vector_load %arg14[%swap3A] {strides = array<i32>} : memref<2000xi32, #tpu.memory_space<vmem>>, vector<16xi32>,
      tpu.vector_store %arg14[%swap3A], %or3A {strides = array<i32>} : memref<2000xi32, #tpu.memory_space<vmem>>, vector<16xi32>,
    }
    %scan3A_111 = arith.constant 125 : i32
    %add3A_112 = arith.constant 4000 : i32
    %add3A_113 = arith.addi %mul3A_2, %add3A_112 : i32
    "tpu.region"() ({
      %run_scoped3A = tpu.sem_alloc : memref<!tpu.dma_semaphore, #tpu.memory_space<semaphore_mem>>
      %dma_start3A_158 = arith.constant 0 : i32
      %dma_start3A_159 = tpu.memref_slice %arg14[%dma_start3A_158] : memref<2000xi32, #tpu.memory_space<vmem>> -> memref<2000xi32, #tpu.memory_space<vmem>>
      %dma_start3A_160 = tpu.memref_slice %arg6[%add3A_113] : memref<100096xi32, #tpu.memory_space<vmem_shared>> -> memref<2000xi32, #tpu.memory_space<vmem_shared>>
      %dma_start3A_161 = tpu.memref_slice %arg6[%add3A_113] : memref<100096xi32, #tpu.memory_space<vmem_shared>> -> memref<2000xi32, #tpu.memory_space<vmem_shared>>
      %dma_start3A_162 = arith.constant 0 : i32
      %dma_start3A_163 = tpu.memref_slice %arg14[%dma_start3A_162] : memref<2000xi32, #tpu.memory_space<vmem>> -> memref<2000xi32, #tpu.memory_space<vmem>>
      tpu.enqueue_dma source(%dma_start3A_163 : memref<2000xi32, #tpu.memory_space<vmem>>) target(%dma_start3A_161 : memref<2000xi32, #tpu.memory_space<vmem_shared>>) target_semaphore(%run_scoped3A : memref<!tpu.dma_semaphore, #tpu.memory_space<semaphore_mem>>)
      %dma_wait3A_164 = arith.constant 0 : i32
      %dma_wait3A_165 = tpu.memref_slice %arg14[%dma_wait3A_164] : memref<2000xi32, #tpu.memory_space<vmem>> -> memref<2000xi32, #tpu.memory_space<vmem>>
      %dma_wait3A_166 = tpu.memref_slice %arg6[%add3A_113] : memref<100096xi32, #tpu.memory_space<vmem_shared>> -> memref<2000xi32, #tpu.memory_space<vmem_shared>>
      %dma_wait3A_167 = tpu.memref_slice %arg6[%add3A_113] : memref<100096xi32, #tpu.memory_space<vmem_shared>> -> memref<2000xi32, #tpu.memory_space<vmem_shared>>
      %dma_wait3A_168 = arith.constant 0 : i32
      %dma_wait3A_169 = tpu.memref_slice %arg14[%dma_wait3A_168] : memref<2000xi32, #tpu.memory_space<vmem>> -> memref<2000xi32, #tpu.memory_space<vmem>>
      tpu.wait_dma2 semaphore(%run_scoped3A : memref<!tpu.dma_semaphore, #tpu.memory_space<semaphore_mem>>) src(%dma_wait3A_169 : memref<2000xi32, #tpu.memory_space<vmem>>) dst(%dma_wait3A_167 : memref<2000xi32, #tpu.memory_space<vmem_shared>>)
      tpu.yield
    }) : () -> ()
    %add3A_114 = arith.constant 6000 : i32
    %add3A_115 = arith.addi %mul3A_2, %add3A_114 : i32
    %dma_start3A_116 = arith.constant 0 : i32
    %dma_start3A_117 = tpu.memref_slice %arg10[%dma_start3A_116] : memref<2000xf32, #tpu.memory_space<vmem>> -> memref<256xf32, #tpu.memory_space<vmem>>
    %dma_start3A_118 = tpu.memref_slice %arg4[%add3A_115] : memref<200192xf32, #tpu.memory_space<hbm>> -> memref<256xf32, #tpu.memory_space<hbm>>
    %dma_start3A_119 = arith.constant 0 : i32
    %dma_start3A_120 = tpu.memref_slice %arg10[%dma_start3A_119] : memref<2000xf32, #tpu.memory_space<vmem>> -> memref<256xf32, #tpu.memory_space<vmem>>
    %dma_start3A_121 = tpu.memref_slice %arg4[%add3A_115] : memref<200192xf32, #tpu.memory_space<hbm>> -> memref<256xf32, #tpu.memory_space<hbm>>
    tpu.enqueue_dma source(%dma_start3A_121 : memref<256xf32, #tpu.memory_space<hbm>>) target(%dma_start3A_120 : memref<256xf32, #tpu.memory_space<vmem>>) target_semaphore(%arg17 : memref<!tpu.dma_semaphore, #tpu.memory_space<semaphore_mem>>)
    %add3A_122 = arith.constant 100096 : i32
    %add3A_123 = arith.addi %add3A_122, %mul3A_2 : i32
    %add3A_124 = arith.constant 6000 : i32
    %add3A_125 = arith.addi %add3A_123, %add3A_124 : i32
    %dma_start3A_126 = arith.constant 0 : i32
    %dma_start3A_127 = tpu.memref_slice %arg13[%dma_start3A_126] : memref<2000xf32, #tpu.memory_space<vmem>> -> memref<256xf32, #tpu.memory_space<vmem>>
    %dma_start3A_128 = tpu.memref_slice %arg4[%add3A_125] : memref<200192xf32, #tpu.memory_space<hbm>> -> memref<256xf32, #tpu.memory_space<hbm>>
    %dma_start3A_129 = arith.constant 0 : i32
    %dma_start3A_130 = tpu.memref_slice %arg13[%dma_start3A_129] : memref<2000xf32, #tpu.memory_space<vmem>> -> memref<256xf32, #tpu.memory_space<vmem>>
    %dma_start3A_131 = tpu.memref_slice %arg4[%add3A_125] : memref<200192xf32, #tpu.memory_space<hbm>> -> memref<256xf32, #tpu.memory_space<hbm>>
    tpu.enqueue_dma source(%dma_start3A_131 : memref<256xf32, #tpu.memory_space<hbm>>) target(%dma_start3A_130 : memref<256xf32, #tpu.memory_space<vmem>>) target_semaphore(%arg20 : memref<!tpu.dma_semaphore, #tpu.memory_space<semaphore_mem>>)
    %dma_wait3A_132 = arith.constant 0 : i32
    %dma_wait3A_133 = tpu.memref_slice %arg10[%dma_wait3A_132] : memref<2000xf32, #tpu.memory_space<vmem>> -> memref<256xf32, #tpu.memory_space<vmem>>
    %dma_wait3A_134 = tpu.memref_slice %arg4[%add3A_115] : memref<200192xf32, #tpu.memory_space<hbm>> -> memref<256xf32, #tpu.memory_space<hbm>>
    %dma_wait3A_135 = arith.constant 0 : i32
    %dma_wait3A_136 = tpu.memref_slice %arg10[%dma_wait3A_135] : memref<2000xf32, #tpu.memory_space<vmem>> -> memref<256xf32, #tpu.memory_space<vmem>>
    %dma_wait3A_137 = tpu.memref_slice %arg4[%add3A_115] : memref<200192xf32, #tpu.memory_space<hbm>> -> memref<256xf32, #tpu.memory_space<hbm>>
    tpu.wait_dma2 semaphore(%arg17 : memref<!tpu.dma_semaphore, #tpu.memory_space<semaphore_mem>>) src(%dma_wait3A_137 : memref<256xf32, #tpu.memory_space<hbm>>) dst(%dma_wait3A_136 : memref<256xf32, #tpu.memory_space<vmem>>)
    %dma_wait3A_138 = arith.constant 0 : i32
    %dma_wait3A_139 = tpu.memref_slice %arg13[%dma_wait3A_138] : memref<2000xf32, #tpu.memory_space<vmem>> -> memref<256xf32, #tpu.memory_space<vmem>>
    %dma_wait3A_140 = tpu.memref_slice %arg4[%add3A_125] : memref<200192xf32, #tpu.memory_space<hbm>> -> memref<256xf32, #tpu.memory_space<hbm>>
    %dma_wait3A_141 = arith.constant 0 : i32
    %dma_wait3A_142 = tpu.memref_slice %arg13[%dma_wait3A_141] : memref<2000xf32, #tpu.memory_space<vmem>> -> memref<256xf32, #tpu.memory_space<vmem>>
    %dma_wait3A_143 = tpu.memref_slice %arg4[%add3A_125] : memref<200192xf32, #tpu.memory_space<hbm>> -> memref<256xf32, #tpu.memory_space<hbm>>
    tpu.wait_dma2 semaphore(%arg20 : memref<!tpu.dma_semaphore, #tpu.memory_space<semaphore_mem>>) src(%dma_wait3A_143 : memref<256xf32, #tpu.memory_space<hbm>>) dst(%dma_wait3A_142 : memref<256xf32, #tpu.memory_space<vmem>>)
    %scan3A_144 = arith.constant 0 : i32
    %scan3A_145 = arith.constant 0 : i32
    %scan3A_146 = arith.constant 16 : i32
    %scan3A_147 = arith.addi %scan3A_145, %scan3A_146 : i32
    %scan3A_148 = arith.constant 1 : i32
    scf.for %scan3A_158 = %scan3A_145 to %scan3A_147 step %scan3A_148  : i32 {
      %mul3A_159 = arith.constant 16 : i32
      %mul3A_160 = arith.muli %scan3A_158, %mul3A_159 : i32
      %get3A = arith.index_cast %mul3A_160 : i32 to index
      %get3A_161 = tpu.vector_load %arg10[%get3A] {strides = array<i32>} : memref<2000xf32, #tpu.memory_space<vmem>>, vector<16xf32>,
      %bitcast_convert_type3A = tpu.bitcast %get3A_161 : vector<16xf32> -> vector<16xi32>
      %add3A_162 = arith.constant 32768 : i32
      %add3A_163 = vector.broadcast %add3A_162 : i32 to vector<16xi32>
      %add3A_164 = arith.addi %bitcast_convert_type3A, %add3A_163 : vector<16xi32>
      %get3A_165 = arith.index_cast %mul3A_160 : i32 to index
      %get3A_166 = tpu.vector_load %arg13[%get3A_165] {strides = array<i32>} : memref<2000xf32, #tpu.memory_space<vmem>>, vector<16xf32>,
      %bitcast_convert_type3A_167 = tpu.bitcast %get3A_166 : vector<16xf32> -> vector<16xi32>
      %add3A_168 = arith.constant 32768 : i32
      %add3A_169 = vector.broadcast %add3A_168 : i32 to vector<16xi32>
      %add3A_170 = arith.addi %bitcast_convert_type3A_167, %add3A_169 : vector<16xi32>
      %and3A = arith.constant -65536 : i32
      %and3A_171 = vector.broadcast %and3A : i32 to vector<16xi32>
      %and3A_172 = arith.andi %add3A_170, %and3A_171 : vector<16xi32>
      %shift_right_logical3A = arith.constant 16 : i32
      %shift_right_logical3A_173 = vector.broadcast %shift_right_logical3A : i32 to vector<16xi32>
      %shift_right_logical3A_174 = arith.shrui %add3A_164, %shift_right_logical3A_173 : vector<16xi32>
      %or3A = arith.ori %and3A_172, %shift_right_logical3A_174 : vector<16xi32>
      %swap3A = arith.index_cast %mul3A_160 : i32 to index
      %swap3A_175 = tpu.vector_load %arg14[%swap3A] {strides = array<i32>} : memref<2000xi32, #tpu.memory_space<vmem>>, vector<16xi32>,
      tpu.vector_store %arg14[%swap3A], %or3A {strides = array<i32>} : memref<2000xi32, #tpu.memory_space<vmem>>, vector<16xi32>,
    }
    %scan3A_149 = arith.constant 16 : i32
    %add3A_150 = arith.constant 6000 : i32
    %add3A_151 = arith.addi %mul3A_2, %add3A_150 : i32
    "tpu.region"() ({
      %run_scoped3A = tpu.sem_alloc : memref<!tpu.dma_semaphore, #tpu.memory_space<semaphore_mem>>
      %dma_start3A_158 = arith.constant 0 : i32
      %dma_start3A_159 = tpu.memref_slice %arg14[%dma_start3A_158] : memref<2000xi32, #tpu.memory_space<vmem>> -> memref<256xi32, #tpu.memory_space<vmem>>
      %dma_start3A_160 = tpu.memref_slice %arg6[%add3A_151] : memref<100096xi32, #tpu.memory_space<vmem_shared>> -> memref<256xi32, #tpu.memory_space<vmem_shared>>
      %dma_start3A_161 = tpu.memref_slice %arg6[%add3A_151] : memref<100096xi32, #tpu.memory_space<vmem_shared>> -> memref<256xi32, #tpu.memory_space<vmem_shared>>
      %dma_start3A_162 = arith.constant 0 : i32
      %dma_start3A_163 = tpu.memref_slice %arg14[%dma_start3A_162] : memref<2000xi32, #tpu.memory_space<vmem>> -> memref<256xi32, #tpu.memory_space<vmem>>
      tpu.enqueue_dma source(%dma_start3A_163 : memref<256xi32, #tpu.memory_space<vmem>>) target(%dma_start3A_161 : memref<256xi32, #tpu.memory_space<vmem_shared>>) target_semaphore(%run_scoped3A : memref<!tpu.dma_semaphore, #tpu.memory_space<semaphore_mem>>)
      %dma_wait3A_164 = arith.constant 0 : i32
      %dma_wait3A_165 = tpu.memref_slice %arg14[%dma_wait3A_164] : memref<2000xi32, #tpu.memory_space<vmem>> -> memref<256xi32, #tpu.memory_space<vmem>>
      %dma_wait3A_166 = tpu.memref_slice %arg6[%add3A_151] : memref<100096xi32, #tpu.memory_space<vmem_shared>> -> memref<256xi32, #tpu.memory_space<vmem_shared>>
      %dma_wait3A_167 = tpu.memref_slice %arg6[%add3A_151] : memref<100096xi32, #tpu.memory_space<vmem_shared>> -> memref<256xi32, #tpu.memory_space<vmem_shared>>
      %dma_wait3A_168 = arith.constant 0 : i32
      %dma_wait3A_169 = tpu.memref_slice %arg14[%dma_wait3A_168] : memref<2000xi32, #tpu.memory_space<vmem>> -> memref<256xi32, #tpu.memory_space<vmem>>
      tpu.wait_dma2 semaphore(%run_scoped3A : memref<!tpu.dma_semaphore, #tpu.memory_space<semaphore_mem>>) src(%dma_wait3A_169 : memref<256xi32, #tpu.memory_space<vmem>>) dst(%dma_wait3A_167 : memref<256xi32, #tpu.memory_space<vmem_shared>>)
      tpu.yield
    }) : () -> ()
    %barrier3A = arith.constant 0 : index
    tpu.barrier barrier_id(%barrier3A)
    "tpu.region"() ({
      %run_scoped3A = tpu.sem_alloc : memref<!tpu.dma_semaphore, #tpu.memory_space<semaphore_mem>>
      tpu.enqueue_dma source(%arg6 : memref<100096xi32, #tpu.memory_space<vmem_shared>>) target(%arg7 : memref<100096xi32, #tpu.memory_space<vmem>>) target_semaphore(%run_scoped3A : memref<!tpu.dma_semaphore, #tpu.memory_space<semaphore_mem>>)
      tpu.wait_dma2 semaphore(%run_scoped3A : memref<!tpu.dma_semaphore, #tpu.memory_space<semaphore_mem>>) src(%arg6 : memref<100096xi32, #tpu.memory_space<vmem_shared>>) dst(%arg7 : memref<100096xi32, #tpu.memory_space<vmem>>)
      tpu.yield
    }) : () -> ()
    %scan3A_152 = arith.constant 0 : i32
    %scan3A_153 = arith.constant 0 : i32
    %scan3A_154 = arith.constant 50 : i32
    %scan3A_155 = arith.addi %scan3A_153, %scan3A_154 : i32
    %scan3A_156 = arith.constant 1 : i32
    scf.for %scan3A_158 = %scan3A_153 to %scan3A_155 step %scan3A_156  : i32 {
      %mul3A_159 = arith.constant 200000 : i32
      %mul3A_160 = arith.muli %add3A, %mul3A_159 : i32
      %mul3A_161 = arith.constant 2 : i32
      %mul3A_162 = arith.muli %mul3A_161, %scan3A_158 : i32
      %mul3A_163 = arith.constant 2000 : i32
      %mul3A_164 = arith.muli %mul3A_162, %mul3A_163 : i32
      %add3A_165 = arith.addi %mul3A_160, %mul3A_164 : i32
      %add3A_166 = arith.constant 2000 : i32
      %add3A_167 = arith.addi %add3A_165, %add3A_166 : i32
      %dma_start3A_168 = tpu.memref_slice %arg3[%add3A_165] : memref<12800000xi32, #tpu.memory_space<hbm>> -> memref<2000xi32, #tpu.memory_space<hbm>>
      %dma_start3A_169 = tpu.memref_slice %arg3[%add3A_165] : memref<12800000xi32, #tpu.memory_space<hbm>> -> memref<2000xi32, #tpu.memory_space<hbm>>
      tpu.enqueue_dma source(%dma_start3A_169 : memref<2000xi32, #tpu.memory_space<hbm>>) target(%arg8 : memref<2000xi32, #tpu.memory_space<vmem>>) target_semaphore(%arg15 : memref<!tpu.dma_semaphore, #tpu.memory_space<semaphore_mem>>)
      %add3A_170 = arith.constant 6400000 : i32
      %add3A_171 = arith.addi %add3A_170, %add3A_165 : i32
      %dma_start3A_172 = tpu.memref_slice %arg3[%add3A_171] : memref<12800000xi32, #tpu.memory_space<hbm>> -> memref<2000xi32, #tpu.memory_space<hbm>>
      %dma_start3A_173 = tpu.memref_slice %arg3[%add3A_171] : memref<12800000xi32, #tpu.memory_space<hbm>> -> memref<2000xi32, #tpu.memory_space<hbm>>
      tpu.enqueue_dma source(%dma_start3A_173 : memref<2000xi32, #tpu.memory_space<hbm>>) target(%arg9 : memref<2000xi32, #tpu.memory_space<vmem>>) target_semaphore(%arg16 : memref<!tpu.dma_semaphore, #tpu.memory_space<semaphore_mem>>)
      %dma_start3A_174 = tpu.memref_slice %arg2[%add3A_165] : memref<6400000xf32, #tpu.memory_space<hbm>> -> memref<2000xf32, #tpu.memory_space<hbm>>
      %dma_start3A_175 = tpu.memref_slice %arg2[%add3A_165] : memref<6400000xf32, #tpu.memory_space<hbm>> -> memref<2000xf32, #tpu.memory_space<hbm>>
      tpu.enqueue_dma source(%dma_start3A_175 : memref<2000xf32, #tpu.memory_space<hbm>>) target(%arg10 : memref<2000xf32, #tpu.memory_space<vmem>>) target_semaphore(%arg17 : memref<!tpu.dma_semaphore, #tpu.memory_space<semaphore_mem>>)
      %dma_start3A_176 = tpu.memref_slice %arg3[%add3A_167] : memref<12800000xi32, #tpu.memory_space<hbm>> -> memref<2000xi32, #tpu.memory_space<hbm>>
      %dma_start3A_177 = tpu.memref_slice %arg3[%add3A_167] : memref<12800000xi32, #tpu.memory_space<hbm>> -> memref<2000xi32, #tpu.memory_space<hbm>>
      tpu.enqueue_dma source(%dma_start3A_177 : memref<2000xi32, #tpu.memory_space<hbm>>) target(%arg11 : memref<2000xi32, #tpu.memory_space<vmem>>) target_semaphore(%arg18 : memref<!tpu.dma_semaphore, #tpu.memory_space<semaphore_mem>>)
      %add3A_178 = arith.constant 6400000 : i32
      %add3A_179 = arith.addi %add3A_178, %add3A_167 : i32
      %dma_start3A_180 = tpu.memref_slice %arg3[%add3A_179] : memref<12800000xi32, #tpu.memory_space<hbm>> -> memref<2000xi32, #tpu.memory_space<hbm>>
      %dma_start3A_181 = tpu.memref_slice %arg3[%add3A_179] : memref<12800000xi32, #tpu.memory_space<hbm>> -> memref<2000xi32, #tpu.memory_space<hbm>>
      tpu.enqueue_dma source(%dma_start3A_181 : memref<2000xi32, #tpu.memory_space<hbm>>) target(%arg12 : memref<2000xi32, #tpu.memory_space<vmem>>) target_semaphore(%arg19 : memref<!tpu.dma_semaphore, #tpu.memory_space<semaphore_mem>>)
      %dma_start3A_182 = tpu.memref_slice %arg2[%add3A_167] : memref<6400000xf32, #tpu.memory_space<hbm>> -> memref<2000xf32, #tpu.memory_space<hbm>>
      %dma_start3A_183 = tpu.memref_slice %arg2[%add3A_167] : memref<6400000xf32, #tpu.memory_space<hbm>> -> memref<2000xf32, #tpu.memory_space<hbm>>
      tpu.enqueue_dma source(%dma_start3A_183 : memref<2000xf32, #tpu.memory_space<hbm>>) target(%arg13 : memref<2000xf32, #tpu.memory_space<vmem>>) target_semaphore(%arg20 : memref<!tpu.dma_semaphore, #tpu.memory_space<semaphore_mem>>)
      %dma_wait3A_184 = tpu.memref_slice %arg3[%add3A_165] : memref<12800000xi32, #tpu.memory_space<hbm>> -> memref<2000xi32, #tpu.memory_space<hbm>>
      %dma_wait3A_185 = tpu.memref_slice %arg3[%add3A_165] : memref<12800000xi32, #tpu.memory_space<hbm>> -> memref<2000xi32, #tpu.memory_space<hbm>>
      tpu.wait_dma2 semaphore(%arg15 : memref<!tpu.dma_semaphore, #tpu.memory_space<semaphore_mem>>) src(%dma_wait3A_185 : memref<2000xi32, #tpu.memory_space<hbm>>) dst(%arg8 : memref<2000xi32, #tpu.memory_space<vmem>>)
      %dma_wait3A_186 = tpu.memref_slice %arg3[%add3A_171] : memref<12800000xi32, #tpu.memory_space<hbm>> -> memref<2000xi32, #tpu.memory_space<hbm>>
      %dma_wait3A_187 = tpu.memref_slice %arg3[%add3A_171] : memref<12800000xi32, #tpu.memory_space<hbm>> -> memref<2000xi32, #tpu.memory_space<hbm>>
      tpu.wait_dma2 semaphore(%arg16 : memref<!tpu.dma_semaphore, #tpu.memory_space<semaphore_mem>>) src(%dma_wait3A_187 : memref<2000xi32, #tpu.memory_space<hbm>>) dst(%arg9 : memref<2000xi32, #tpu.memory_space<vmem>>)
      %dma_wait3A_188 = tpu.memref_slice %arg2[%add3A_165] : memref<6400000xf32, #tpu.memory_space<hbm>> -> memref<2000xf32, #tpu.memory_space<hbm>>
      %dma_wait3A_189 = tpu.memref_slice %arg2[%add3A_165] : memref<6400000xf32, #tpu.memory_space<hbm>> -> memref<2000xf32, #tpu.memory_space<hbm>>
      tpu.wait_dma2 semaphore(%arg17 : memref<!tpu.dma_semaphore, #tpu.memory_space<semaphore_mem>>) src(%dma_wait3A_189 : memref<2000xf32, #tpu.memory_space<hbm>>) dst(%arg10 : memref<2000xf32, #tpu.memory_space<vmem>>)
      %scan3A_190 = arith.constant 0 : i32
      %scan3A_191 = arith.constant 0 : i32
      %scan3A_192 = arith.constant 25 : i32
      %scan3A_193 = arith.addi %scan3A_191, %scan3A_192 : i32
      %scan3A_194 = arith.constant 1 : i32
      scf.for %scan3A_216 = %scan3A_191 to %scan3A_193 step %scan3A_194  : i32 {
        %mul3A_217 = arith.constant 5 : i32
        %mul3A_218 = arith.muli %scan3A_216, %mul3A_217 : i32
        %add3A_219 = arith.constant 0 : i32
        %add3A_220 = arith.addi %mul3A_218, %add3A_219 : i32
        %mul3A_221 = arith.constant 16 : i32
        %mul3A_222 = arith.muli %add3A_220, %mul3A_221 : i32
        %get3A = arith.index_cast %mul3A_222 : i32 to index
        %get3A_223 = tpu.vector_load %arg8[%get3A] {strides = array<i32>} : memref<2000xi32, #tpu.memory_space<vmem>>, vector<16xi32>,
        %gather3A = tpu.vector_load_idx %arg7[%get3A_223] : memref<100096xi32, #tpu.memory_space<vmem>>[vector<16xi32>], vector<16xi32>,
        %get3A_224 = arith.index_cast %mul3A_222 : i32 to index
        %get3A_225 = tpu.vector_load %arg9[%get3A_224] {strides = array<i32>} : memref<2000xi32, #tpu.memory_space<vmem>>, vector<16xi32>,
        %gather3A_226 = tpu.vector_load_idx %arg7[%get3A_225] : memref<100096xi32, #tpu.memory_space<vmem>>[vector<16xi32>], vector<16xi32>,
        %shift_left3A = arith.constant 16 : i32
        %shift_left3A_227 = vector.broadcast %shift_left3A : i32 to vector<16xi32>
        %shift_left3A_228 = arith.shli %gather3A, %shift_left3A_227 : vector<16xi32>
        %bitcast_convert_type3A = tpu.bitcast %shift_left3A_228 : vector<16xi32> -> vector<16xf32>
        %and3A = arith.constant -65536 : i32
        %and3A_229 = vector.broadcast %and3A : i32 to vector<16xi32>
        %and3A_230 = arith.andi %gather3A_226, %and3A_229 : vector<16xi32>
        %bitcast_convert_type3A_231 = tpu.bitcast %and3A_230 : vector<16xi32> -> vector<16xf32>
        %mul3A_232 = arith.mulf %bitcast_convert_type3A, %bitcast_convert_type3A_231 : vector<16xf32>
        %get3A_233 = arith.index_cast %mul3A_222 : i32 to index
        %get3A_234 = tpu.vector_load %arg10[%get3A_233] {strides = array<i32>} : memref<2000xf32, #tpu.memory_space<vmem>>, vector<16xf32>,
        %mul3A_235 = arith.mulf %mul3A_232, %get3A_234 : vector<16xf32>
        %swap3A = arith.index_cast %mul3A_222 : i32 to index
        %swap3A_236 = tpu.vector_load %arg10[%swap3A] {strides = array<i32>} : memref<2000xf32, #tpu.memory_space<vmem>>, vector<16xf32>,
        tpu.vector_store %arg10[%swap3A], %mul3A_235 {strides = array<i32>} : memref<2000xf32, #tpu.memory_space<vmem>>, vector<16xf32>,
        %mul3A_237 = arith.constant 5 : i32
        %mul3A_238 = arith.muli %scan3A_216, %mul3A_237 : i32
        %add3A_239 = arith.constant 1 : i32
        %add3A_240 = arith.addi %mul3A_238, %add3A_239 : i32
        %mul3A_241 = arith.constant 16 : i32
        %mul3A_242 = arith.muli %add3A_240, %mul3A_241 : i32
        %get3A_243 = arith.index_cast %mul3A_242 : i32 to index
        %get3A_244 = tpu.vector_load %arg8[%get3A_243] {strides = array<i32>} : memref<2000xi32, #tpu.memory_space<vmem>>, vector<16xi32>,
        %gather3A_245 = tpu.vector_load_idx %arg7[%get3A_244] : memref<100096xi32, #tpu.memory_space<vmem>>[vector<16xi32>], vector<16xi32>,
        %get3A_246 = arith.index_cast %mul3A_242 : i32 to index
        %get3A_247 = tpu.vector_load %arg9[%get3A_246] {strides = array<i32>} : memref<2000xi32, #tpu.memory_space<vmem>>, vector<16xi32>,
        %gather3A_248 = tpu.vector_load_idx %arg7[%get3A_247] : memref<100096xi32, #tpu.memory_space<vmem>>[vector<16xi32>], vector<16xi32>,
        %shift_left3A_249 = arith.constant 16 : i32
        %shift_left3A_250 = vector.broadcast %shift_left3A_249 : i32 to vector<16xi32>
        %shift_left3A_251 = arith.shli %gather3A_245, %shift_left3A_250 : vector<16xi32>
        %bitcast_convert_type3A_252 = tpu.bitcast %shift_left3A_251 : vector<16xi32> -> vector<16xf32>
        %and3A_253 = arith.constant -65536 : i32
        %and3A_254 = vector.broadcast %and3A_253 : i32 to vector<16xi32>
        %and3A_255 = arith.andi %gather3A_248, %and3A_254 : vector<16xi32>
        %bitcast_convert_type3A_256 = tpu.bitcast %and3A_255 : vector<16xi32> -> vector<16xf32>
        %mul3A_257 = arith.mulf %bitcast_convert_type3A_252, %bitcast_convert_type3A_256 : vector<16xf32>
        %get3A_258 = arith.index_cast %mul3A_242 : i32 to index
        %get3A_259 = tpu.vector_load %arg10[%get3A_258] {strides = array<i32>} : memref<2000xf32, #tpu.memory_space<vmem>>, vector<16xf32>,
        %mul3A_260 = arith.mulf %mul3A_257, %get3A_259 : vector<16xf32>
        %swap3A_261 = arith.index_cast %mul3A_242 : i32 to index
        %swap3A_262 = tpu.vector_load %arg10[%swap3A_261] {strides = array<i32>} : memref<2000xf32, #tpu.memory_space<vmem>>, vector<16xf32>,
        tpu.vector_store %arg10[%swap3A_261], %mul3A_260 {strides = array<i32>} : memref<2000xf32, #tpu.memory_space<vmem>>, vector<16xf32>,
        %mul3A_263 = arith.constant 5 : i32
        %mul3A_264 = arith.muli %scan3A_216, %mul3A_263 : i32
        %add3A_265 = arith.constant 2 : i32
        %add3A_266 = arith.addi %mul3A_264, %add3A_265 : i32
        %mul3A_267 = arith.constant 16 : i32
        %mul3A_268 = arith.muli %add3A_266, %mul3A_267 : i32
        %get3A_269 = arith.index_cast %mul3A_268 : i32 to index
        %get3A_270 = tpu.vector_load %arg8[%get3A_269] {strides = array<i32>} : memref<2000xi32, #tpu.memory_space<vmem>>, vector<16xi32>,
        %gather3A_271 = tpu.vector_load_idx %arg7[%get3A_270] : memref<100096xi32, #tpu.memory_space<vmem>>[vector<16xi32>], vector<16xi32>,
        %get3A_272 = arith.index_cast %mul3A_268 : i32 to index
        %get3A_273 = tpu.vector_load %arg9[%get3A_272] {strides = array<i32>} : memref<2000xi32, #tpu.memory_space<vmem>>, vector<16xi32>,
        %gather3A_274 = tpu.vector_load_idx %arg7[%get3A_273] : memref<100096xi32, #tpu.memory_space<vmem>>[vector<16xi32>], vector<16xi32>,
        %shift_left3A_275 = arith.constant 16 : i32
        %shift_left3A_276 = vector.broadcast %shift_left3A_275 : i32 to vector<16xi32>
        %shift_left3A_277 = arith.shli %gather3A_271, %shift_left3A_276 : vector<16xi32>
        %bitcast_convert_type3A_278 = tpu.bitcast %shift_left3A_277 : vector<16xi32> -> vector<16xf32>
        %and3A_279 = arith.constant -65536 : i32
        %and3A_280 = vector.broadcast %and3A_279 : i32 to vector<16xi32>
        %and3A_281 = arith.andi %gather3A_274, %and3A_280 : vector<16xi32>
        %bitcast_convert_type3A_282 = tpu.bitcast %and3A_281 : vector<16xi32> -> vector<16xf32>
        %mul3A_283 = arith.mulf %bitcast_convert_type3A_278, %bitcast_convert_type3A_282 : vector<16xf32>
        %get3A_284 = arith.index_cast %mul3A_268 : i32 to index
        %get3A_285 = tpu.vector_load %arg10[%get3A_284] {strides = array<i32>} : memref<2000xf32, #tpu.memory_space<vmem>>, vector<16xf32>,
        %mul3A_286 = arith.mulf %mul3A_283, %get3A_285 : vector<16xf32>
        %swap3A_287 = arith.index_cast %mul3A_268 : i32 to index
        %swap3A_288 = tpu.vector_load %arg10[%swap3A_287] {strides = array<i32>} : memref<2000xf32, #tpu.memory_space<vmem>>, vector<16xf32>,
        tpu.vector_store %arg10[%swap3A_287], %mul3A_286 {strides = array<i32>} : memref<2000xf32, #tpu.memory_space<vmem>>, vector<16xf32>,
        %mul3A_289 = arith.constant 5 : i32
        %mul3A_290 = arith.muli %scan3A_216, %mul3A_289 : i32
        %add3A_291 = arith.constant 3 : i32
        %add3A_292 = arith.addi %mul3A_290, %add3A_291 : i32
        %mul3A_293 = arith.constant 16 : i32
        %mul3A_294 = arith.muli %add3A_292, %mul3A_293 : i32
        %get3A_295 = arith.index_cast %mul3A_294 : i32 to index
        %get3A_296 = tpu.vector_load %arg8[%get3A_295] {strides = array<i32>} : memref<2000xi32, #tpu.memory_space<vmem>>, vector<16xi32>,
        %gather3A_297 = tpu.vector_load_idx %arg7[%get3A_296] : memref<100096xi32, #tpu.memory_space<vmem>>[vector<16xi32>], vector<16xi32>,
        %get3A_298 = arith.index_cast %mul3A_294 : i32 to index
        %get3A_299 = tpu.vector_load %arg9[%get3A_298] {strides = array<i32>} : memref<2000xi32, #tpu.memory_space<vmem>>, vector<16xi32>,
        %gather3A_300 = tpu.vector_load_idx %arg7[%get3A_299] : memref<100096xi32, #tpu.memory_space<vmem>>[vector<16xi32>], vector<16xi32>,
        %shift_left3A_301 = arith.constant 16 : i32
        %shift_left3A_302 = vector.broadcast %shift_left3A_301 : i32 to vector<16xi32>
        %shift_left3A_303 = arith.shli %gather3A_297, %shift_left3A_302 : vector<16xi32>
        %bitcast_convert_type3A_304 = tpu.bitcast %shift_left3A_303 : vector<16xi32> -> vector<16xf32>
        %and3A_305 = arith.constant -65536 : i32
        %and3A_306 = vector.broadcast %and3A_305 : i32 to vector<16xi32>
        %and3A_307 = arith.andi %gather3A_300, %and3A_306 : vector<16xi32>
        %bitcast_convert_type3A_308 = tpu.bitcast %and3A_307 : vector<16xi32> -> vector<16xf32>
        %mul3A_309 = arith.mulf %bitcast_convert_type3A_304, %bitcast_convert_type3A_308 : vector<16xf32>
        %get3A_310 = arith.index_cast %mul3A_294 : i32 to index
        %get3A_311 = tpu.vector_load %arg10[%get3A_310] {strides = array<i32>} : memref<2000xf32, #tpu.memory_space<vmem>>, vector<16xf32>,
        %mul3A_312 = arith.mulf %mul3A_309, %get3A_311 : vector<16xf32>
        %swap3A_313 = arith.index_cast %mul3A_294 : i32 to index
        %swap3A_314 = tpu.vector_load %arg10[%swap3A_313] {strides = array<i32>} : memref<2000xf32, #tpu.memory_space<vmem>>, vector<16xf32>,
        tpu.vector_store %arg10[%swap3A_313], %mul3A_312 {strides = array<i32>} : memref<2000xf32, #tpu.memory_space<vmem>>, vector<16xf32>,
        %mul3A_315 = arith.constant 5 : i32
        %mul3A_316 = arith.muli %scan3A_216, %mul3A_315 : i32
        %add3A_317 = arith.constant 4 : i32
        %add3A_318 = arith.addi %mul3A_316, %add3A_317 : i32
        %mul3A_319 = arith.constant 16 : i32
        %mul3A_320 = arith.muli %add3A_318, %mul3A_319 : i32
        %get3A_321 = arith.index_cast %mul3A_320 : i32 to index
        %get3A_322 = tpu.vector_load %arg8[%get3A_321] {strides = array<i32>} : memref<2000xi32, #tpu.memory_space<vmem>>, vector<16xi32>,
        %gather3A_323 = tpu.vector_load_idx %arg7[%get3A_322] : memref<100096xi32, #tpu.memory_space<vmem>>[vector<16xi32>], vector<16xi32>,
        %get3A_324 = arith.index_cast %mul3A_320 : i32 to index
        %get3A_325 = tpu.vector_load %arg9[%get3A_324] {strides = array<i32>} : memref<2000xi32, #tpu.memory_space<vmem>>, vector<16xi32>,
        %gather3A_326 = tpu.vector_load_idx %arg7[%get3A_325] : memref<100096xi32, #tpu.memory_space<vmem>>[vector<16xi32>], vector<16xi32>,
        %shift_left3A_327 = arith.constant 16 : i32
        %shift_left3A_328 = vector.broadcast %shift_left3A_327 : i32 to vector<16xi32>
        %shift_left3A_329 = arith.shli %gather3A_323, %shift_left3A_328 : vector<16xi32>
        %bitcast_convert_type3A_330 = tpu.bitcast %shift_left3A_329 : vector<16xi32> -> vector<16xf32>
        %and3A_331 = arith.constant -65536 : i32
        %and3A_332 = vector.broadcast %and3A_331 : i32 to vector<16xi32>
        %and3A_333 = arith.andi %gather3A_326, %and3A_332 : vector<16xi32>
        %bitcast_convert_type3A_334 = tpu.bitcast %and3A_333 : vector<16xi32> -> vector<16xf32>
        %mul3A_335 = arith.mulf %bitcast_convert_type3A_330, %bitcast_convert_type3A_334 : vector<16xf32>
        %get3A_336 = arith.index_cast %mul3A_320 : i32 to index
        %get3A_337 = tpu.vector_load %arg10[%get3A_336] {strides = array<i32>} : memref<2000xf32, #tpu.memory_space<vmem>>, vector<16xf32>,
        %mul3A_338 = arith.mulf %mul3A_335, %get3A_337 : vector<16xf32>
        %swap3A_339 = arith.index_cast %mul3A_320 : i32 to index
        %swap3A_340 = tpu.vector_load %arg10[%swap3A_339] {strides = array<i32>} : memref<2000xf32, #tpu.memory_space<vmem>>, vector<16xf32>,
        tpu.vector_store %arg10[%swap3A_339], %mul3A_338 {strides = array<i32>} : memref<2000xf32, #tpu.memory_space<vmem>>, vector<16xf32>,
      }
      %scan3A_195 = arith.constant 25 : i32
      %dma_start3A_196 = tpu.memref_slice %arg5[%add3A_165] : memref<6400000xf32, #tpu.memory_space<hbm>> -> memref<2000xf32, #tpu.memory_space<hbm>>
      %dma_start3A_197 = tpu.memref_slice %arg5[%add3A_165] : memref<6400000xf32, #tpu.memory_space<hbm>> -> memref<2000xf32, #tpu.memory_space<hbm>>
      tpu.enqueue_dma source(%arg10 : memref<2000xf32, #tpu.memory_space<vmem>>) target(%dma_start3A_197 : memref<2000xf32, #tpu.memory_space<hbm>>) target_semaphore(%arg21 : memref<!tpu.dma_semaphore, #tpu.memory_space<semaphore_mem>>)
      %dma_wait3A_198 = tpu.memref_slice %arg3[%add3A_167] : memref<12800000xi32, #tpu.memory_space<hbm>> -> memref<2000xi32, #tpu.memory_space<hbm>>
      %dma_wait3A_199 = tpu.memref_slice %arg3[%add3A_167] : memref<12800000xi32, #tpu.memory_space<hbm>> -> memref<2000xi32, #tpu.memory_space<hbm>>
      tpu.wait_dma2 semaphore(%arg18 : memref<!tpu.dma_semaphore, #tpu.memory_space<semaphore_mem>>) src(%dma_wait3A_199 : memref<2000xi32, #tpu.memory_space<hbm>>) dst(%arg11 : memref<2000xi32, #tpu.memory_space<vmem>>)
      %dma_wait3A_200 = tpu.memref_slice %arg3[%add3A_179] : memref<12800000xi32, #tpu.memory_space<hbm>> -> memref<2000xi32, #tpu.memory_space<hbm>>
      %dma_wait3A_201 = tpu.memref_slice %arg3[%add3A_179] : memref<12800000xi32, #tpu.memory_space<hbm>> -> memref<2000xi32, #tpu.memory_space<hbm>>
      tpu.wait_dma2 semaphore(%arg19 : memref<!tpu.dma_semaphore, #tpu.memory_space<semaphore_mem>>) src(%dma_wait3A_201 : memref<2000xi32, #tpu.memory_space<hbm>>) dst(%arg12 : memref<2000xi32, #tpu.memory_space<vmem>>)
      %dma_wait3A_202 = tpu.memref_slice %arg2[%add3A_167] : memref<6400000xf32, #tpu.memory_space<hbm>> -> memref<2000xf32, #tpu.memory_space<hbm>>
      %dma_wait3A_203 = tpu.memref_slice %arg2[%add3A_167] : memref<6400000xf32, #tpu.memory_space<hbm>> -> memref<2000xf32, #tpu.memory_space<hbm>>
      tpu.wait_dma2 semaphore(%arg20 : memref<!tpu.dma_semaphore, #tpu.memory_space<semaphore_mem>>) src(%dma_wait3A_203 : memref<2000xf32, #tpu.memory_space<hbm>>) dst(%arg13 : memref<2000xf32, #tpu.memory_space<vmem>>)
      %scan3A_204 = arith.constant 0 : i32
      %scan3A_205 = arith.constant 0 : i32
      %scan3A_206 = arith.constant 25 : i32
      %scan3A_207 = arith.addi %scan3A_205, %scan3A_206 : i32
      %scan3A_208 = arith.constant 1 : i32
      scf.for %scan3A_216 = %scan3A_205 to %scan3A_207 step %scan3A_208  : i32 {
        %mul3A_217 = arith.constant 5 : i32
        %mul3A_218 = arith.muli %scan3A_216, %mul3A_217 : i32
        %add3A_219 = arith.constant 0 : i32
        %add3A_220 = arith.addi %mul3A_218, %add3A_219 : i32
        %mul3A_221 = arith.constant 16 : i32
        %mul3A_222 = arith.muli %add3A_220, %mul3A_221 : i32
        %get3A = arith.index_cast %mul3A_222 : i32 to index
        %get3A_223 = tpu.vector_load %arg11[%get3A] {strides = array<i32>} : memref<2000xi32, #tpu.memory_space<vmem>>, vector<16xi32>,
        %gather3A = tpu.vector_load_idx %arg7[%get3A_223] : memref<100096xi32, #tpu.memory_space<vmem>>[vector<16xi32>], vector<16xi32>,
        %get3A_224 = arith.index_cast %mul3A_222 : i32 to index
        %get3A_225 = tpu.vector_load %arg12[%get3A_224] {strides = array<i32>} : memref<2000xi32, #tpu.memory_space<vmem>>, vector<16xi32>,
        %gather3A_226 = tpu.vector_load_idx %arg7[%get3A_225] : memref<100096xi32, #tpu.memory_space<vmem>>[vector<16xi32>], vector<16xi32>,
        %shift_left3A = arith.constant 16 : i32
        %shift_left3A_227 = vector.broadcast %shift_left3A : i32 to vector<16xi32>
        %shift_left3A_228 = arith.shli %gather3A, %shift_left3A_227 : vector<16xi32>
        %bitcast_convert_type3A = tpu.bitcast %shift_left3A_228 : vector<16xi32> -> vector<16xf32>
        %and3A = arith.constant -65536 : i32
        %and3A_229 = vector.broadcast %and3A : i32 to vector<16xi32>
        %and3A_230 = arith.andi %gather3A_226, %and3A_229 : vector<16xi32>
        %bitcast_convert_type3A_231 = tpu.bitcast %and3A_230 : vector<16xi32> -> vector<16xf32>
        %mul3A_232 = arith.mulf %bitcast_convert_type3A, %bitcast_convert_type3A_231 : vector<16xf32>
        %get3A_233 = arith.index_cast %mul3A_222 : i32 to index
        %get3A_234 = tpu.vector_load %arg13[%get3A_233] {strides = array<i32>} : memref<2000xf32, #tpu.memory_space<vmem>>, vector<16xf32>,
        %mul3A_235 = arith.mulf %mul3A_232, %get3A_234 : vector<16xf32>
        %swap3A = arith.index_cast %mul3A_222 : i32 to index
        %swap3A_236 = tpu.vector_load %arg13[%swap3A] {strides = array<i32>} : memref<2000xf32, #tpu.memory_space<vmem>>, vector<16xf32>,
        tpu.vector_store %arg13[%swap3A], %mul3A_235 {strides = array<i32>} : memref<2000xf32, #tpu.memory_space<vmem>>, vector<16xf32>,
        %mul3A_237 = arith.constant 5 : i32
        %mul3A_238 = arith.muli %scan3A_216, %mul3A_237 : i32
        %add3A_239 = arith.constant 1 : i32
        %add3A_240 = arith.addi %mul3A_238, %add3A_239 : i32
        %mul3A_241 = arith.constant 16 : i32
        %mul3A_242 = arith.muli %add3A_240, %mul3A_241 : i32
        %get3A_243 = arith.index_cast %mul3A_242 : i32 to index
        %get3A_244 = tpu.vector_load %arg11[%get3A_243] {strides = array<i32>} : memref<2000xi32, #tpu.memory_space<vmem>>, vector<16xi32>,
        %gather3A_245 = tpu.vector_load_idx %arg7[%get3A_244] : memref<100096xi32, #tpu.memory_space<vmem>>[vector<16xi32>], vector<16xi32>,
        %get3A_246 = arith.index_cast %mul3A_242 : i32 to index
        %get3A_247 = tpu.vector_load %arg12[%get3A_246] {strides = array<i32>} : memref<2000xi32, #tpu.memory_space<vmem>>, vector<16xi32>,
        %gather3A_248 = tpu.vector_load_idx %arg7[%get3A_247] : memref<100096xi32, #tpu.memory_space<vmem>>[vector<16xi32>], vector<16xi32>,
        %shift_left3A_249 = arith.constant 16 : i32
        %shift_left3A_250 = vector.broadcast %shift_left3A_249 : i32 to vector<16xi32>
        %shift_left3A_251 = arith.shli %gather3A_245, %shift_left3A_250 : vector<16xi32>
        %bitcast_convert_type3A_252 = tpu.bitcast %shift_left3A_251 : vector<16xi32> -> vector<16xf32>
        %and3A_253 = arith.constant -65536 : i32
        %and3A_254 = vector.broadcast %and3A_253 : i32 to vector<16xi32>
        %and3A_255 = arith.andi %gather3A_248, %and3A_254 : vector<16xi32>
        %bitcast_convert_type3A_256 = tpu.bitcast %and3A_255 : vector<16xi32> -> vector<16xf32>
        %mul3A_257 = arith.mulf %bitcast_convert_type3A_252, %bitcast_convert_type3A_256 : vector<16xf32>
        %get3A_258 = arith.index_cast %mul3A_242 : i32 to index
        %get3A_259 = tpu.vector_load %arg13[%get3A_258] {strides = array<i32>} : memref<2000xf32, #tpu.memory_space<vmem>>, vector<16xf32>,
        %mul3A_260 = arith.mulf %mul3A_257, %get3A_259 : vector<16xf32>
        %swap3A_261 = arith.index_cast %mul3A_242 : i32 to index
        %swap3A_262 = tpu.vector_load %arg13[%swap3A_261] {strides = array<i32>} : memref<2000xf32, #tpu.memory_space<vmem>>, vector<16xf32>,
        tpu.vector_store %arg13[%swap3A_261], %mul3A_260 {strides = array<i32>} : memref<2000xf32, #tpu.memory_space<vmem>>, vector<16xf32>,
        %mul3A_263 = arith.constant 5 : i32
        %mul3A_264 = arith.muli %scan3A_216, %mul3A_263 : i32
        %add3A_265 = arith.constant 2 : i32
        %add3A_266 = arith.addi %mul3A_264, %add3A_265 : i32
        %mul3A_267 = arith.constant 16 : i32
        %mul3A_268 = arith.muli %add3A_266, %mul3A_267 : i32
        %get3A_269 = arith.index_cast %mul3A_268 : i32 to index
        %get3A_270 = tpu.vector_load %arg11[%get3A_269] {strides = array<i32>} : memref<2000xi32, #tpu.memory_space<vmem>>, vector<16xi32>,
        %gather3A_271 = tpu.vector_load_idx %arg7[%get3A_270] : memref<100096xi32, #tpu.memory_space<vmem>>[vector<16xi32>], vector<16xi32>,
        %get3A_272 = arith.index_cast %mul3A_268 : i32 to index
        %get3A_273 = tpu.vector_load %arg12[%get3A_272] {strides = array<i32>} : memref<2000xi32, #tpu.memory_space<vmem>>, vector<16xi32>,
        %gather3A_274 = tpu.vector_load_idx %arg7[%get3A_273] : memref<100096xi32, #tpu.memory_space<vmem>>[vector<16xi32>], vector<16xi32>,
        %shift_left3A_275 = arith.constant 16 : i32
        %shift_left3A_276 = vector.broadcast %shift_left3A_275 : i32 to vector<16xi32>
        %shift_left3A_277 = arith.shli %gather3A_271, %shift_left3A_276 : vector<16xi32>
        %bitcast_convert_type3A_278 = tpu.bitcast %shift_left3A_277 : vector<16xi32> -> vector<16xf32>
        %and3A_279 = arith.constant -65536 : i32
        %and3A_280 = vector.broadcast %and3A_279 : i32 to vector<16xi32>
        %and3A_281 = arith.andi %gather3A_274, %and3A_280 : vector<16xi32>
        %bitcast_convert_type3A_282 = tpu.bitcast %and3A_281 : vector<16xi32> -> vector<16xf32>
        %mul3A_283 = arith.mulf %bitcast_convert_type3A_278, %bitcast_convert_type3A_282 : vector<16xf32>
        %get3A_284 = arith.index_cast %mul3A_268 : i32 to index
        %get3A_285 = tpu.vector_load %arg13[%get3A_284] {strides = array<i32>} : memref<2000xf32, #tpu.memory_space<vmem>>, vector<16xf32>,
        %mul3A_286 = arith.mulf %mul3A_283, %get3A_285 : vector<16xf32>
        %swap3A_287 = arith.index_cast %mul3A_268 : i32 to index
        %swap3A_288 = tpu.vector_load %arg13[%swap3A_287] {strides = array<i32>} : memref<2000xf32, #tpu.memory_space<vmem>>, vector<16xf32>,
        tpu.vector_store %arg13[%swap3A_287], %mul3A_286 {strides = array<i32>} : memref<2000xf32, #tpu.memory_space<vmem>>, vector<16xf32>,
        %mul3A_289 = arith.constant 5 : i32
        %mul3A_290 = arith.muli %scan3A_216, %mul3A_289 : i32
        %add3A_291 = arith.constant 3 : i32
        %add3A_292 = arith.addi %mul3A_290, %add3A_291 : i32
        %mul3A_293 = arith.constant 16 : i32
        %mul3A_294 = arith.muli %add3A_292, %mul3A_293 : i32
        %get3A_295 = arith.index_cast %mul3A_294 : i32 to index
        %get3A_296 = tpu.vector_load %arg11[%get3A_295] {strides = array<i32>} : memref<2000xi32, #tpu.memory_space<vmem>>, vector<16xi32>,
        %gather3A_297 = tpu.vector_load_idx %arg7[%get3A_296] : memref<100096xi32, #tpu.memory_space<vmem>>[vector<16xi32>], vector<16xi32>,
        %get3A_298 = arith.index_cast %mul3A_294 : i32 to index
        %get3A_299 = tpu.vector_load %arg12[%get3A_298] {strides = array<i32>} : memref<2000xi32, #tpu.memory_space<vmem>>, vector<16xi32>,
        %gather3A_300 = tpu.vector_load_idx %arg7[%get3A_299] : memref<100096xi32, #tpu.memory_space<vmem>>[vector<16xi32>], vector<16xi32>,
        %shift_left3A_301 = arith.constant 16 : i32
        %shift_left3A_302 = vector.broadcast %shift_left3A_301 : i32 to vector<16xi32>
        %shift_left3A_303 = arith.shli %gather3A_297, %shift_left3A_302 : vector<16xi32>
        %bitcast_convert_type3A_304 = tpu.bitcast %shift_left3A_303 : vector<16xi32> -> vector<16xf32>
        %and3A_305 = arith.constant -65536 : i32
        %and3A_306 = vector.broadcast %and3A_305 : i32 to vector<16xi32>
        %and3A_307 = arith.andi %gather3A_300, %and3A_306 : vector<16xi32>
        %bitcast_convert_type3A_308 = tpu.bitcast %and3A_307 : vector<16xi32> -> vector<16xf32>
        %mul3A_309 = arith.mulf %bitcast_convert_type3A_304, %bitcast_convert_type3A_308 : vector<16xf32>
        %get3A_310 = arith.index_cast %mul3A_294 : i32 to index
        %get3A_311 = tpu.vector_load %arg13[%get3A_310] {strides = array<i32>} : memref<2000xf32, #tpu.memory_space<vmem>>, vector<16xf32>,
        %mul3A_312 = arith.mulf %mul3A_309, %get3A_311 : vector<16xf32>
        %swap3A_313 = arith.index_cast %mul3A_294 : i32 to index
        %swap3A_314 = tpu.vector_load %arg13[%swap3A_313] {strides = array<i32>} : memref<2000xf32, #tpu.memory_space<vmem>>, vector<16xf32>,
        tpu.vector_store %arg13[%swap3A_313], %mul3A_312 {strides = array<i32>} : memref<2000xf32, #tpu.memory_space<vmem>>, vector<16xf32>,
        %mul3A_315 = arith.constant 5 : i32
        %mul3A_316 = arith.muli %scan3A_216, %mul3A_315 : i32
        %add3A_317 = arith.constant 4 : i32
        %add3A_318 = arith.addi %mul3A_316, %add3A_317 : i32
        %mul3A_319 = arith.constant 16 : i32
        %mul3A_320 = arith.muli %add3A_318, %mul3A_319 : i32
        %get3A_321 = arith.index_cast %mul3A_320 : i32 to index
        %get3A_322 = tpu.vector_load %arg11[%get3A_321] {strides = array<i32>} : memref<2000xi32, #tpu.memory_space<vmem>>, vector<16xi32>,
        %gather3A_323 = tpu.vector_load_idx %arg7[%get3A_322] : memref<100096xi32, #tpu.memory_space<vmem>>[vector<16xi32>], vector<16xi32>,
        %get3A_324 = arith.index_cast %mul3A_320 : i32 to index
        %get3A_325 = tpu.vector_load %arg12[%get3A_324] {strides = array<i32>} : memref<2000xi32, #tpu.memory_space<vmem>>, vector<16xi32>,
        %gather3A_326 = tpu.vector_load_idx %arg7[%get3A_325] : memref<100096xi32, #tpu.memory_space<vmem>>[vector<16xi32>], vector<16xi32>,
        %shift_left3A_327 = arith.constant 16 : i32
        %shift_left3A_328 = vector.broadcast %shift_left3A_327 : i32 to vector<16xi32>
        %shift_left3A_329 = arith.shli %gather3A_323, %shift_left3A_328 : vector<16xi32>
        %bitcast_convert_type3A_330 = tpu.bitcast %shift_left3A_329 : vector<16xi32> -> vector<16xf32>
        %and3A_331 = arith.constant -65536 : i32
        %and3A_332 = vector.broadcast %and3A_331 : i32 to vector<16xi32>
        %and3A_333 = arith.andi %gather3A_326, %and3A_332 : vector<16xi32>
        %bitcast_convert_type3A_334 = tpu.bitcast %and3A_333 : vector<16xi32> -> vector<16xf32>
        %mul3A_335 = arith.mulf %bitcast_convert_type3A_330, %bitcast_convert_type3A_334 : vector<16xf32>
        %get3A_336 = arith.index_cast %mul3A_320 : i32 to index
        %get3A_337 = tpu.vector_load %arg13[%get3A_336] {strides = array<i32>} : memref<2000xf32, #tpu.memory_space<vmem>>, vector<16xf32>,
        %mul3A_338 = arith.mulf %mul3A_335, %get3A_337 : vector<16xf32>
        %swap3A_339 = arith.index_cast %mul3A_320 : i32 to index
        %swap3A_340 = tpu.vector_load %arg13[%swap3A_339] {strides = array<i32>} : memref<2000xf32, #tpu.memory_space<vmem>>, vector<16xf32>,
        tpu.vector_store %arg13[%swap3A_339], %mul3A_338 {strides = array<i32>} : memref<2000xf32, #tpu.memory_space<vmem>>, vector<16xf32>,
      }
      %scan3A_209 = arith.constant 25 : i32
      %dma_start3A_210 = tpu.memref_slice %arg5[%add3A_167] : memref<6400000xf32, #tpu.memory_space<hbm>> -> memref<2000xf32, #tpu.memory_space<hbm>>
      %dma_start3A_211 = tpu.memref_slice %arg5[%add3A_167] : memref<6400000xf32, #tpu.memory_space<hbm>> -> memref<2000xf32, #tpu.memory_space<hbm>>
      tpu.enqueue_dma source(%arg13 : memref<2000xf32, #tpu.memory_space<vmem>>) target(%dma_start3A_211 : memref<2000xf32, #tpu.memory_space<hbm>>) target_semaphore(%arg22 : memref<!tpu.dma_semaphore, #tpu.memory_space<semaphore_mem>>)
      %dma_wait3A_212 = tpu.memref_slice %arg5[%add3A_165] : memref<6400000xf32, #tpu.memory_space<hbm>> -> memref<2000xf32, #tpu.memory_space<hbm>>
      %dma_wait3A_213 = tpu.memref_slice %arg5[%add3A_165] : memref<6400000xf32, #tpu.memory_space<hbm>> -> memref<2000xf32, #tpu.memory_space<hbm>>
      tpu.wait_dma2 semaphore(%arg21 : memref<!tpu.dma_semaphore, #tpu.memory_space<semaphore_mem>>) src(%arg10 : memref<2000xf32, #tpu.memory_space<vmem>>) dst(%dma_wait3A_213 : memref<2000xf32, #tpu.memory_space<hbm>>)
      %dma_wait3A_214 = tpu.memref_slice %arg5[%add3A_167] : memref<6400000xf32, #tpu.memory_space<hbm>> -> memref<2000xf32, #tpu.memory_space<hbm>>
      %dma_wait3A_215 = tpu.memref_slice %arg5[%add3A_167] : memref<6400000xf32, #tpu.memory_space<hbm>> -> memref<2000xf32, #tpu.memory_space<hbm>>
      tpu.wait_dma2 semaphore(%arg22 : memref<!tpu.dma_semaphore, #tpu.memory_space<semaphore_mem>>) src(%arg13 : memref<2000xf32, #tpu.memory_space<vmem>>) dst(%dma_wait3A_215 : memref<2000xf32, #tpu.memory_space<hbm>>)
    }
    %scan3A_157 = arith.constant 50 : i32
    return
  }
}

#map = affine_map<(d0, d1) -> (0)>
module attributes {stable_mosaic.version = 14 : i64} {
  func.func @_norms(%arg0: i32, %arg1: i32, %arg2: memref<6400000xf32, #tpu.memory_space<hbm>>, %arg3: memref<12800000xi32, #tpu.memory_space<hbm>>, %arg4: memref<200192xf32, #tpu.memory_space<hbm>>, %arg5: memref<100096xf32, #tpu.memory_space<vmem_shared>>, %arg6: memref<10000xi32, #tpu.memory_space<vmem>>, %arg7: memref<10000xf32, #tpu.memory_space<vmem>>, %arg8: memref<10000xi32, #tpu.memory_space<vmem>>, %arg9: memref<10000xf32, #tpu.memory_space<vmem>>, %arg10: memref<6256xf32, #tpu.memory_space<vmem>>, %arg11: memref<!tpu.dma_semaphore, #tpu.memory_space<semaphore_mem>>, %arg12: memref<!tpu.dma_semaphore, #tpu.memory_space<semaphore_mem>>, %arg13: memref<!tpu.dma_semaphore, #tpu.memory_space<semaphore_mem>>, %arg14: memref<!tpu.dma_semaphore, #tpu.memory_space<semaphore_mem>>) attributes {dimension_semantics = [#tpu.dimension_semantics<core_parallel>, #tpu.dimension_semantics<subcore_parallel>], iteration_bounds = array<i64: 2, 16>, scalar_prefetch = 0 : i64, scratch_operands = 10 : i64, tpu.core_type = #tpu.core_type<sc_vector_subcore>, window_params = [{transform_indices = #map}, {transform_indices = #map}, {transform_indices = #map}]} {
    %mul3A = arith.constant 6256 : i32
    %mul3A_0 = arith.muli %arg1, %mul3A : i32
    %scan3A = arith.constant 0 : i32
    %scan3A_1 = arith.constant 0 : i32
    %scan3A_2 = arith.constant 391 : i32
    %scan3A_3 = arith.addi %scan3A_1, %scan3A_2 : i32
    %scan3A_4 = arith.constant 1 : i32
    scf.for %scan3A_21 = %scan3A_1 to %scan3A_3 step %scan3A_4  : i32 {
      %broadcast_in_dim3A = arith.constant 0.000000e+00 : f32
      %broadcast_in_dim3A_22 = vector.broadcast %broadcast_in_dim3A : f32 to vector<16xf32>
      %mul3A_23 = arith.constant 16 : i32
      %mul3A_24 = arith.muli %scan3A_21, %mul3A_23 : i32
      %swap3A = arith.index_cast %mul3A_24 : i32 to index
      %swap3A_25 = tpu.vector_load %arg10[%swap3A] {strides = array<i32>} : memref<6256xf32, #tpu.memory_space<vmem>>, vector<16xf32>,
      %swap3A_26 = vector.shape_cast %swap3A_25 : vector<16xf32> to vector<16xf32>
      %swap3A_27 = vector.shape_cast %broadcast_in_dim3A_22 : vector<16xf32> to vector<16xf32>
      tpu.vector_store %arg10[%swap3A], %swap3A_27 {strides = array<i32>} : memref<6256xf32, #tpu.memory_space<vmem>>, vector<16xf32>,
    }
    %scan3A_5 = arith.constant 391 : i32
    "tpu.region"() ({
      %run_scoped3A = tpu.sem_alloc : memref<!tpu.dma_semaphore, #tpu.memory_space<semaphore_mem>>
      %dma_start3A = tpu.memref_slice %arg5[%mul3A_0] : memref<100096xf32, #tpu.memory_space<vmem_shared>> -> memref<6256xf32, #tpu.memory_space<vmem_shared>>
      %dma_start3A_21 = tpu.memref_slice %arg5[%mul3A_0] : memref<100096xf32, #tpu.memory_space<vmem_shared>> -> memref<6256xf32, #tpu.memory_space<vmem_shared>>
      tpu.enqueue_dma source(%arg10 : memref<6256xf32, #tpu.memory_space<vmem>>) target(%dma_start3A_21 : memref<6256xf32, #tpu.memory_space<vmem_shared>>) target_semaphore(%run_scoped3A : memref<!tpu.dma_semaphore, #tpu.memory_space<semaphore_mem>>)
      %dma_wait3A = tpu.memref_slice %arg5[%mul3A_0] : memref<100096xf32, #tpu.memory_space<vmem_shared>> -> memref<6256xf32, #tpu.memory_space<vmem_shared>>
      %dma_wait3A_22 = tpu.memref_slice %arg5[%mul3A_0] : memref<100096xf32, #tpu.memory_space<vmem_shared>> -> memref<6256xf32, #tpu.memory_space<vmem_shared>>
      tpu.wait_dma2 semaphore(%run_scoped3A : memref<!tpu.dma_semaphore, #tpu.memory_space<semaphore_mem>>) src(%arg10 : memref<6256xf32, #tpu.memory_space<vmem>>) dst(%dma_wait3A_22 : memref<6256xf32, #tpu.memory_space<vmem_shared>>)
      tpu.yield
    }) : () -> ()
    %barrier3A = arith.constant 0 : index
    tpu.barrier barrier_id(%barrier3A)
    %scan3A_6 = arith.constant 0 : i32
    %scan3A_7 = arith.constant 0 : i32
    %scan3A_8 = arith.constant 20 : i32
    %scan3A_9 = arith.addi %scan3A_7, %scan3A_8 : i32
    %scan3A_10 = arith.constant 1 : i32
    scf.for %scan3A_21 = %scan3A_7 to %scan3A_9 step %scan3A_10  : i32 {
      %mul3A_22 = arith.constant 40 : i32
      %mul3A_23 = arith.muli %arg1, %mul3A_22 : i32
      %mul3A_24 = arith.constant 2 : i32
      %mul3A_25 = arith.muli %mul3A_24, %scan3A_21 : i32
      %add3A_26 = arith.addi %mul3A_23, %mul3A_25 : i32
      %mul3A_27 = arith.constant 10000 : i32
      %mul3A_28 = arith.muli %add3A_26, %mul3A_27 : i32
      %add3A_29 = arith.constant 10000 : i32
      %add3A_30 = arith.addi %mul3A_28, %add3A_29 : i32
      %mul3A_31 = arith.constant 6400000 : i32
      %mul3A_32 = arith.muli %arg0, %mul3A_31 : i32
      %add3A_33 = arith.addi %mul3A_32, %mul3A_28 : i32
      %dma_start3A = tpu.memref_slice %arg3[%add3A_33] : memref<12800000xi32, #tpu.memory_space<hbm>> -> memref<10000xi32, #tpu.memory_space<hbm>>
      %dma_start3A_34 = tpu.memref_slice %arg3[%add3A_33] : memref<12800000xi32, #tpu.memory_space<hbm>> -> memref<10000xi32, #tpu.memory_space<hbm>>
      tpu.enqueue_dma source(%dma_start3A_34 : memref<10000xi32, #tpu.memory_space<hbm>>) target(%arg6 : memref<10000xi32, #tpu.memory_space<vmem>>) target_semaphore(%arg11 : memref<!tpu.dma_semaphore, #tpu.memory_space<semaphore_mem>>)
      %dma_start3A_35 = tpu.memref_slice %arg2[%mul3A_28] : memref<6400000xf32, #tpu.memory_space<hbm>> -> memref<10000xf32, #tpu.memory_space<hbm>>
      %dma_start3A_36 = tpu.memref_slice %arg2[%mul3A_28] : memref<6400000xf32, #tpu.memory_space<hbm>> -> memref<10000xf32, #tpu.memory_space<hbm>>
      tpu.enqueue_dma source(%dma_start3A_36 : memref<10000xf32, #tpu.memory_space<hbm>>) target(%arg7 : memref<10000xf32, #tpu.memory_space<vmem>>) target_semaphore(%arg12 : memref<!tpu.dma_semaphore, #tpu.memory_space<semaphore_mem>>)
      %add3A_37 = arith.addi %mul3A_32, %add3A_30 : i32
      %dma_start3A_38 = tpu.memref_slice %arg3[%add3A_37] : memref<12800000xi32, #tpu.memory_space<hbm>> -> memref<10000xi32, #tpu.memory_space<hbm>>
      %dma_start3A_39 = tpu.memref_slice %arg3[%add3A_37] : memref<12800000xi32, #tpu.memory_space<hbm>> -> memref<10000xi32, #tpu.memory_space<hbm>>
      tpu.enqueue_dma source(%dma_start3A_39 : memref<10000xi32, #tpu.memory_space<hbm>>) target(%arg8 : memref<10000xi32, #tpu.memory_space<vmem>>) target_semaphore(%arg13 : memref<!tpu.dma_semaphore, #tpu.memory_space<semaphore_mem>>)
      %dma_start3A_40 = tpu.memref_slice %arg2[%add3A_30] : memref<6400000xf32, #tpu.memory_space<hbm>> -> memref<10000xf32, #tpu.memory_space<hbm>>
      %dma_start3A_41 = tpu.memref_slice %arg2[%add3A_30] : memref<6400000xf32, #tpu.memory_space<hbm>> -> memref<10000xf32, #tpu.memory_space<hbm>>
      tpu.enqueue_dma source(%dma_start3A_41 : memref<10000xf32, #tpu.memory_space<hbm>>) target(%arg9 : memref<10000xf32, #tpu.memory_space<vmem>>) target_semaphore(%arg14 : memref<!tpu.dma_semaphore, #tpu.memory_space<semaphore_mem>>)
      %dma_wait3A = tpu.memref_slice %arg3[%add3A_33] : memref<12800000xi32, #tpu.memory_space<hbm>> -> memref<10000xi32, #tpu.memory_space<hbm>>
      %dma_wait3A_42 = tpu.memref_slice %arg3[%add3A_33] : memref<12800000xi32, #tpu.memory_space<hbm>> -> memref<10000xi32, #tpu.memory_space<hbm>>
      tpu.wait_dma2 semaphore(%arg11 : memref<!tpu.dma_semaphore, #tpu.memory_space<semaphore_mem>>) src(%dma_wait3A_42 : memref<10000xi32, #tpu.memory_space<hbm>>) dst(%arg6 : memref<10000xi32, #tpu.memory_space<vmem>>)
      %dma_wait3A_43 = tpu.memref_slice %arg2[%mul3A_28] : memref<6400000xf32, #tpu.memory_space<hbm>> -> memref<10000xf32, #tpu.memory_space<hbm>>
      %dma_wait3A_44 = tpu.memref_slice %arg2[%mul3A_28] : memref<6400000xf32, #tpu.memory_space<hbm>> -> memref<10000xf32, #tpu.memory_space<hbm>>
      tpu.wait_dma2 semaphore(%arg12 : memref<!tpu.dma_semaphore, #tpu.memory_space<semaphore_mem>>) src(%dma_wait3A_44 : memref<10000xf32, #tpu.memory_space<hbm>>) dst(%arg7 : memref<10000xf32, #tpu.memory_space<vmem>>)
      "tpu.region"() ({
        %run_scoped3A = tpu.sem_alloc : memref<!tpu.dma_semaphore, #tpu.memory_space<semaphore_mem>>
        %dma_start3A_49 = arith.constant 0 : i32
        %dma_start3A_50 = tpu.memref_slice %arg5[%dma_start3A_49] : memref<100096xf32, #tpu.memory_space<vmem_shared>> -> memref<100096xf32, #tpu.memory_space<vmem_shared>>
        tpu.enqueue_indirect_dma source(%arg7 : memref<10000xf32, #tpu.memory_space<vmem>>) target(%dma_start3A_50 : memref<100096xf32, #tpu.memory_space<vmem_shared>>) offsets(%arg6 : memref<10000xi32, #tpu.memory_space<vmem>>) semaphore(%run_scoped3A : memref<!tpu.dma_semaphore, #tpu.memory_space<semaphore_mem>>) {add = true}
        %dma_wait3A_51 = arith.constant 0 : i32
        %dma_wait3A_52 = tpu.memref_slice %arg5[%dma_wait3A_51] : memref<100096xf32, #tpu.memory_space<vmem_shared>> -> memref<100096xf32, #tpu.memory_space<vmem_shared>>
        tpu.wait_indirect_dma semaphore(%run_scoped3A : memref<!tpu.dma_semaphore, #tpu.memory_space<semaphore_mem>>) src(%arg7 : memref<10000xf32, #tpu.memory_space<vmem>>) dst(%dma_wait3A_52 : memref<100096xf32, #tpu.memory_space<vmem_shared>>)
        tpu.yield
      }) : () -> ()
      %dma_wait3A_45 = tpu.memref_slice %arg3[%add3A_37] : memref<12800000xi32, #tpu.memory_space<hbm>> -> memref<10000xi32, #tpu.memory_space<hbm>>
      %dma_wait3A_46 = tpu.memref_slice %arg3[%add3A_37] : memref<12800000xi32, #tpu.memory_space<hbm>> -> memref<10000xi32, #tpu.memory_space<hbm>>
      tpu.wait_dma2 semaphore(%arg13 : memref<!tpu.dma_semaphore, #tpu.memory_space<semaphore_mem>>) src(%dma_wait3A_46 : memref<10000xi32, #tpu.memory_space<hbm>>) dst(%arg8 : memref<10000xi32, #tpu.memory_space<vmem>>)
      %dma_wait3A_47 = tpu.memref_slice %arg2[%add3A_30] : memref<6400000xf32, #tpu.memory_space<hbm>> -> memref<10000xf32, #tpu.memory_space<hbm>>
      %dma_wait3A_48 = tpu.memref_slice %arg2[%add3A_30] : memref<6400000xf32, #tpu.memory_space<hbm>> -> memref<10000xf32, #tpu.memory_space<hbm>>
      tpu.wait_dma2 semaphore(%arg14 : memref<!tpu.dma_semaphore, #tpu.memory_space<semaphore_mem>>) src(%dma_wait3A_48 : memref<10000xf32, #tpu.memory_space<hbm>>) dst(%arg9 : memref<10000xf32, #tpu.memory_space<vmem>>)
      "tpu.region"() ({
        %run_scoped3A = tpu.sem_alloc : memref<!tpu.dma_semaphore, #tpu.memory_space<semaphore_mem>>
        %dma_start3A_49 = arith.constant 0 : i32
        %dma_start3A_50 = tpu.memref_slice %arg5[%dma_start3A_49] : memref<100096xf32, #tpu.memory_space<vmem_shared>> -> memref<100096xf32, #tpu.memory_space<vmem_shared>>
        tpu.enqueue_indirect_dma source(%arg9 : memref<10000xf32, #tpu.memory_space<vmem>>) target(%dma_start3A_50 : memref<100096xf32, #tpu.memory_space<vmem_shared>>) offsets(%arg8 : memref<10000xi32, #tpu.memory_space<vmem>>) semaphore(%run_scoped3A : memref<!tpu.dma_semaphore, #tpu.memory_space<semaphore_mem>>) {add = true}
        %dma_wait3A_51 = arith.constant 0 : i32
        %dma_wait3A_52 = tpu.memref_slice %arg5[%dma_wait3A_51] : memref<100096xf32, #tpu.memory_space<vmem_shared>> -> memref<100096xf32, #tpu.memory_space<vmem_shared>>
        tpu.wait_indirect_dma semaphore(%run_scoped3A : memref<!tpu.dma_semaphore, #tpu.memory_space<semaphore_mem>>) src(%arg9 : memref<10000xf32, #tpu.memory_space<vmem>>) dst(%dma_wait3A_52 : memref<100096xf32, #tpu.memory_space<vmem_shared>>)
        tpu.yield
      }) : () -> ()
    }
    %scan3A_11 = arith.constant 20 : i32
    %barrier3A_12 = arith.constant 0 : index
    tpu.barrier barrier_id(%barrier3A_12)
    "tpu.region"() ({
      %run_scoped3A = tpu.sem_alloc : memref<!tpu.dma_semaphore, #tpu.memory_space<semaphore_mem>>
      %dma_start3A = tpu.memref_slice %arg5[%mul3A_0] : memref<100096xf32, #tpu.memory_space<vmem_shared>> -> memref<6256xf32, #tpu.memory_space<vmem_shared>>
      %dma_start3A_21 = tpu.memref_slice %arg5[%mul3A_0] : memref<100096xf32, #tpu.memory_space<vmem_shared>> -> memref<6256xf32, #tpu.memory_space<vmem_shared>>
      tpu.enqueue_dma source(%dma_start3A_21 : memref<6256xf32, #tpu.memory_space<vmem_shared>>) target(%arg10 : memref<6256xf32, #tpu.memory_space<vmem>>) target_semaphore(%run_scoped3A : memref<!tpu.dma_semaphore, #tpu.memory_space<semaphore_mem>>)
      %dma_wait3A = tpu.memref_slice %arg5[%mul3A_0] : memref<100096xf32, #tpu.memory_space<vmem_shared>> -> memref<6256xf32, #tpu.memory_space<vmem_shared>>
      %dma_wait3A_22 = tpu.memref_slice %arg5[%mul3A_0] : memref<100096xf32, #tpu.memory_space<vmem_shared>> -> memref<6256xf32, #tpu.memory_space<vmem_shared>>
      tpu.wait_dma2 semaphore(%run_scoped3A : memref<!tpu.dma_semaphore, #tpu.memory_space<semaphore_mem>>) src(%dma_wait3A_22 : memref<6256xf32, #tpu.memory_space<vmem_shared>>) dst(%arg10 : memref<6256xf32, #tpu.memory_space<vmem>>)
      tpu.yield
    }) : () -> ()
    %scan3A_13 = arith.constant 0 : i32
    %scan3A_14 = arith.constant 0 : i32
    %scan3A_15 = arith.constant 391 : i32
    %scan3A_16 = arith.addi %scan3A_14, %scan3A_15 : i32
    %scan3A_17 = arith.constant 1 : i32
    scf.for %scan3A_21 = %scan3A_14 to %scan3A_16 step %scan3A_17  : i32 {
      %mul3A_22 = arith.constant 16 : i32
      %mul3A_23 = arith.muli %scan3A_21, %mul3A_22 : i32
      %get3A = arith.index_cast %mul3A_23 : i32 to index
      %get3A_24 = tpu.vector_load %arg10[%get3A] {strides = array<i32>} : memref<6256xf32, #tpu.memory_space<vmem>>, vector<16xf32>,
      %get3A_25 = vector.shape_cast %get3A_24 : vector<16xf32> to vector<16xf32>
      %bitcast_convert_type3A = tpu.bitcast %get3A_25 : vector<16xf32> -> vector<16xi32>
      %shift_right_logical3A = arith.constant 1 : i32
      %shift_right_logical3A_26 = vector.broadcast %shift_right_logical3A : i32 to vector<16xi32>
      %shift_right_logical3A_27 = arith.shrui %bitcast_convert_type3A, %shift_right_logical3A_26 : vector<16xi32>
      %sub3A = arith.constant 1597463007 : i32
      %sub3A_28 = vector.broadcast %sub3A : i32 to vector<16xi32>
      %sub3A_29 = arith.subi %sub3A_28, %shift_right_logical3A_27 : vector<16xi32>
      %bitcast_convert_type3A_30 = tpu.bitcast %sub3A_29 : vector<16xi32> -> vector<16xf32>
      %mul3A_31 = arith.constant 5.000000e-01 : f32
      %mul3A_32 = vector.broadcast %mul3A_31 : f32 to vector<16xf32>
      %mul3A_33 = arith.mulf %mul3A_32, %get3A_25 : vector<16xf32>
      %mul3A_34 = arith.mulf %mul3A_33, %bitcast_convert_type3A_30 : vector<16xf32>
      %mul3A_35 = arith.mulf %mul3A_34, %bitcast_convert_type3A_30 : vector<16xf32>
      %sub3A_36 = arith.constant 1.500000e+00 : f32
      %sub3A_37 = vector.broadcast %sub3A_36 : f32 to vector<16xf32>
      %sub3A_38 = arith.subf %sub3A_37, %mul3A_35 : vector<16xf32>
      %mul3A_39 = arith.mulf %bitcast_convert_type3A_30, %sub3A_38 : vector<16xf32>
      %mul3A_40 = arith.constant 5.000000e-01 : f32
      %mul3A_41 = vector.broadcast %mul3A_40 : f32 to vector<16xf32>
      %mul3A_42 = arith.mulf %mul3A_41, %get3A_25 : vector<16xf32>
      %mul3A_43 = arith.mulf %mul3A_42, %mul3A_39 : vector<16xf32>
      %mul3A_44 = arith.mulf %mul3A_43, %mul3A_39 : vector<16xf32>
      %sub3A_45 = arith.constant 1.500000e+00 : f32
      %sub3A_46 = vector.broadcast %sub3A_45 : f32 to vector<16xf32>
      %sub3A_47 = arith.subf %sub3A_46, %mul3A_44 : vector<16xf32>
      %mul3A_48 = arith.mulf %mul3A_39, %sub3A_47 : vector<16xf32>
      %mul3A_49 = arith.constant 5.000000e-01 : f32
      %mul3A_50 = vector.broadcast %mul3A_49 : f32 to vector<16xf32>
      %mul3A_51 = arith.mulf %mul3A_50, %get3A_25 : vector<16xf32>
      %mul3A_52 = arith.mulf %mul3A_51, %mul3A_48 : vector<16xf32>
      %mul3A_53 = arith.mulf %mul3A_52, %mul3A_48 : vector<16xf32>
      %sub3A_54 = arith.constant 1.500000e+00 : f32
      %sub3A_55 = vector.broadcast %sub3A_54 : f32 to vector<16xf32>
      %sub3A_56 = arith.subf %sub3A_55, %mul3A_53 : vector<16xf32>
      %mul3A_57 = arith.mulf %mul3A_48, %sub3A_56 : vector<16xf32>
      %swap3A = arith.index_cast %mul3A_23 : i32 to index
      %swap3A_58 = tpu.vector_load %arg10[%swap3A] {strides = array<i32>} : memref<6256xf32, #tpu.memory_space<vmem>>, vector<16xf32>,
      %swap3A_59 = vector.shape_cast %swap3A_58 : vector<16xf32> to vector<16xf32>
      %swap3A_60 = vector.shape_cast %mul3A_57 : vector<16xf32> to vector<16xf32>
      tpu.vector_store %arg10[%swap3A], %swap3A_60 {strides = array<i32>} : memref<6256xf32, #tpu.memory_space<vmem>>, vector<16xf32>,
    }
    %scan3A_18 = arith.constant 391 : i32
    %mul3A_19 = arith.constant 100096 : i32
    %mul3A_20 = arith.muli %arg0, %mul3A_19 : i32
    %add3A = arith.addi %mul3A_20, %mul3A_0 : i32
    "tpu.region"() ({
      %run_scoped3A = tpu.sem_alloc : memref<!tpu.dma_semaphore, #tpu.memory_space<semaphore_mem>>
      %dma_start3A = tpu.memref_slice %arg4[%add3A] : memref<200192xf32, #tpu.memory_space<hbm>> -> memref<6256xf32, #tpu.memory_space<hbm>>
      %dma_start3A_21 = tpu.memref_slice %arg4[%add3A] : memref<200192xf32, #tpu.memory_space<hbm>> -> memref<6256xf32, #tpu.memory_space<hbm>>
      tpu.enqueue_dma source(%arg10 : memref<6256xf32, #tpu.memory_space<vmem>>) target(%dma_start3A_21 : memref<6256xf32, #tpu.memory_space<hbm>>) target_semaphore(%run_scoped3A : memref<!tpu.dma_semaphore, #tpu.memory_space<semaphore_mem>>)
      %dma_wait3A = tpu.memref_slice %arg4[%add3A] : memref<200192xf32, #tpu.memory_space<hbm>> -> memref<6256xf32, #tpu.memory_space<hbm>>
      %dma_wait3A_22 = tpu.memref_slice %arg4[%add3A] : memref<200192xf32, #tpu.memory_space<hbm>> -> memref<6256xf32, #tpu.memory_space<hbm>>
      tpu.wait_dma2 semaphore(%run_scoped3A : memref<!tpu.dma_semaphore, #tpu.memory_space<semaphore_mem>>) src(%arg10 : memref<6256xf32, #tpu.memory_space<vmem>>) dst(%dma_wait3A_22 : memref<6256xf32, #tpu.memory_space<hbm>>)
      tpu.yield
    }) : () -> ()
    return
  }
}

</mosaic_0001>

<sc_bundles>
// kernel: kernel.4.cloned.1.call-start
scs
__scs_entry_jumppad:
0x0: {  	(pc) =	sbr.rel $0x88, $3  }
0x1: {  	(tag) =	ssettag $0x0;
	lr =	simm.s32 $0x1  }
0x2: {  	[smem:$0x3F9F] =	sst lr;
	_ =	strace $0xD0000000  }
0x3: {  	_ = 	snop  }
0x4: {  	_ = 	snop  }
0x5: {  	_ = 	snop  }
0x6: {  	_ = 	snop  }
0x7: {  	_ = 	snop  }
__scs_overlays_trampoline_lowered:
0x8: {  	[smem:$0x3FAE] =	sst s0  }
0x9: {  	[smem:$0x3FAF] =	sst s1  }
0xa: {  	[smem:$0x3FB0] =	sst s2  }
0xb: {  	[smem:$0x3FB1] =	sst s3  }
0xc: {  	[smem:$0x3FB2] =	sst s4  }
0xd: {  	[smem:$0x3FB3] =	sst s5  }
0xe: {  	[smem:$0x3FB4] =	sst s6  }
0xf: {  	[smem:$0x3FB5] =	sst s7  }
0x10: {  	[smem:$0x3FB6] =	sst s8  }
0x11: {  	[smem:$0x3FB7] =	sst s9;
	s0 =	simm.s32 @!p0 $0x0  }
0x12: {  	s1 =	sld [smem:$0x3F9D];
	s0 =	simm.s32 @p0 $0x1  }
0x13: {  	[smem:$0x3FB8] =	sst s0;
	s0 =	simm.s32 @!p1 $0x0  }
0x14: {  	s2 =	sld [smem:$0x3F9C];
	s0 =	simm.s32 @p1 $0x1  }
0x15: {  	[smem:$0x3FB9] =	sst s0;
	s0 =	simm.s32 @!p2 $0x0  }
0x16: {  	s3 =	sld [smem:$0x3FDB];
	s0 =	simm.s32 @p2 $0x1  }
0x17: {  	s4 =	simm.s32 $0x1BF5;
	[smem:$0x3FBB] =	sst s0  }
0x18: {  	s0 =	sld [smem:$0x3F9E];
	_ =	swait.ge [sflag:s4], $0x0  }
0x19: {  	s7 =	sld [smem:$0x3F9F]  }
0x1a: {  	s8 =	sadd.s32 $0xFFFFE003, lr  }
0x1b: {  	s9 =	sadd.s32 $0xFFFFFEF7, lr;
	s5 =	simm.s32 $0xFFFFFFFF;
	p2 =	slt.u32 s8, $0xFFFFF086  }
0x1c: {  	p1 =	slt.u32 s9, $0xF7A;
	s5 =	simm.s32 @!p2 $0x0  }
0x1d: {  	s5 =	simm.s32 @p1 $0x1;
	p0 =	seq.s32 s7, s2  }
0x1e: {  	s7 =	smul.u32 @!p0 $0xF7A, s2;
	p2 =	seq.s32 @!p0 s5, $0x0  }
0x1f: {  	s9 =	smul.u32 $0xF7A, s1;
	s8 =	simm.s32 @!p0 $0x1BF5;
	p2 =	por !p2, p0  }
0x20: {  	[sflag:s8] =	ssyncset.s32 @!p0 $0xFFFFF086;
	s6 =	sadd.s32 @!p0 s3, s7;
	s7 =	simm.s32 @!p0 $0x108  }
0x21: {  	s3 =	sadd.s32 s3, s9;
	s6 =	sadd.s32 @!p0 $0x88, s6;
	s7 =	simm.s32 @p2 $0x1082  }
0x22: {  	[simem:s7], [sflag:s8] =	dma.local @!p0 [hbm:s6], $0xF7A  }
0x23: {  	s9 =	sor.u32 $0xD0000000, s2;
	s6 =	simm.s32 $0x108;
	_ =	swait.ge @!p0 [sflag:s8], $0x0  }
0x24: {  	s3 =	sadd.s32 $0x88, s3;
	s6 =	simm.s32 @!p1 $0x1082;
	[sflag:s4] =	ssyncset.s32 $0xFFFFF086  }
0x25: {  	[simem:s6], [sflag:s4] =	dma.local [hbm:s3], $0xF7A  }
0x26: {  	[smem:$0x3F9F] =	sst s1;
	(tag) =	ssettag s2;
	_ =	strace s9  }
0x27: {  	s1 =	sld [smem:$0x3FAF]  }
0x28: {  	s2 =	sld [smem:$0x3FB0]  }
0x29: {  	s4 =	sld [smem:$0x3FB2]  }
0x2a: {  	p0 =	seq.s32 s5, $0x0;
	s5 =	sld [smem:$0x3FB3]  }
0x2b: {  	s6 =	sld [smem:$0x3FB4]  }
0x2c: {  	s7 =	sld [smem:$0x3FB5]  }
0x2d: {  	s3 =	simm.s32 $0x108;
	s8 =	sld [smem:$0x3FB6]  }
0x2e: {  	s3 =	simm.s32 @!p0 $0x1082;
	s9 =	sld [smem:$0x3FB7]  }
0x2f: {  	lr =	sadd.s32 s0, s3;
	s0 =	sld [smem:$0x3FAE]  }
0x30: {  	s3 =	sld [smem:$0x3FB1]  }
0x31: {  	[smem:$0x3FBA] =	sst s10  }
0x32: {  	s10 =	sld [smem:$0x3FB8];
	_ =	sdelay $0x3  }
0x33: {  	p0 =	seq.s32 s10, $0x1;
	s10 =	sld [smem:$0x3FBA];
	_ =	sdelay $0x3  }
0x34: {  	[smem:$0x3FBA] =	sst s10  }
0x35: {  	s10 =	sld [smem:$0x3FB9];
	_ =	sdelay $0x3  }
0x36: {  	p1 =	seq.s32 s10, $0x1;
	s10 =	sld [smem:$0x3FBA];
	_ =	sdelay $0x3  }
0x37: {  	[smem:$0x3FBA] =	sst s10  }
0x38: {  	s10 =	sld [smem:$0x3FBB]  }
0x39: {  	_ = 	snop;
	(pc) =	sbr.ind lr, $3  }
0x3a: {  	_ = 	snop  }
0x3b: {  	_ = 	snop  }
0x3c: {  	p2 =	seq.s32 s10, $0x1;
	s10 =	sld [smem:$0x3FBA]  }
0x3d: {  	_ =	shalt  }
0x3e: {  	_ =	shalt  }
0x3f: {  	_ =	shalt  }
0x40: {  	_ =	shalt  }
0x41: {  	_ =	shalt  }
0x42: {  	_ =	shalt  }
0x43: {  	_ =	shalt  }
0x44: {  	_ =	shalt  }
0x45: {  	_ =	shalt  }
0x46: {  	_ =	shalt  }
0x47: {  	_ =	shalt  }
0x48: {  	_ =	shalt  }
0x49: {  	_ =	shalt  }
0x4a: {  	_ =	shalt  }
0x4b: {  	_ =	shalt  }
0x4c: {  	_ =	shalt  }
0x4d: {  	_ =	shalt  }
0x4e: {  	_ =	shalt  }
0x4f: {  	_ =	shalt  }
0x50: {  	_ =	shalt  }
0x51: {  	_ =	shalt  }
0x52: {  	_ =	shalt  }
0x53: {  	_ =	shalt  }
0x54: {  	_ =	shalt  }
0x55: {  	_ =	shalt  }
0x56: {  	_ =	shalt  }
0x57: {  	_ =	shalt  }
0x58: {  	_ =	shalt  }
0x59: {  	_ =	shalt  }
0x5a: {  	_ =	shalt  }
0x5b: {  	_ =	shalt  }
0x5c: {  	_ =	shalt  }
0x5d: {  	_ =	shalt  }
0x5e: {  	_ =	shalt  }
0x5f: {  	_ =	shalt  }
0x60: {  	_ =	shalt  }
0x61: {  	_ =	shalt  }
0x62: {  	_ =	shalt  }
0x63: {  	_ =	shalt  }
0x64: {  	_ =	shalt  }
0x65: {  	_ =	shalt  }
0x66: {  	_ =	shalt  }
0x67: {  	_ =	shalt  }
0x68: {  	_ =	shalt  }
0x69: {  	_ =	shalt  }
0x6a: {  	_ =	shalt  }
0x6b: {  	_ =	shalt  }
0x6c: {  	_ =	shalt  }
0x6d: {  	_ =	shalt  }
0x6e: {  	_ =	shalt  }
0x6f: {  	_ =	shalt  }
0x70: {  	_ =	shalt  }
0x71: {  	_ =	shalt  }
0x72: {  	_ =	shalt  }
0x73: {  	_ =	shalt  }
0x74: {  	_ =	shalt  }
0x75: {  	_ =	shalt  }
0x76: {  	_ =	shalt  }
0x77: {  	_ =	shalt  }
0x78: {  	_ =	shalt  }
0x79: {  	_ =	shalt  }
0x7a: {  	_ =	shalt  }
0x7b: {  	_ =	shalt  }
0x7c: {  	_ =	shalt  }
0x7d: {  	_ =	shalt  }
0x7e: {  	_ =	shalt  }
0x7f: {  	_ =	shalt  }
0x80: {  	_ =	shalt  }
0x81: {  	_ =	shalt  }
0x82: {  	_ =	shalt  }
0x83: {  	_ =	shalt  }
0x84: {  	_ =	shalt  }
0x85: {  	_ =	shalt  }
0x86: {  	_ =	shalt  }
0x87: {  	_ =	shalt  }
.Lfunc_end0:
.L_simem_size_0:
called_computation.1_lowered:
.L_overlay_start_0:
0x88: {  	s2 =	sld [smem:$0x3FD9]  }
0x89: {  	s3 =	sld [smem:$0x3FFE];
	_ =	sdelay $0x1  }
0x8a: {  	s1 =	srdreg.scid  }
0x8b: {  	s0 =	sand.u32 $0x1, s1  }
0x8c: {  	s17 =	sshll.u32 s0, $0xA;
	s2 =	sadd.s32 s3, s2  }
0x8d: {  	s2 =	sadd.s32 s2, s17  }
0x8e: {  	[smem:$0x3FC6] =	sst s2  }
0x8f: {  	_ = 	snop  }
0x90: {  	s2 =	sld [smem:$0x3FC9];
	(tm) =	ssettm $0x1  }
0x91: {  	s18 =	sld [smem:$0x3FFB];
	_ =	sdelay $0x3  }
0x92: {  	_ =	strace s18  }
0x93: {  	s3 =	sld [smem:$0x3FFC];
	_ =	sdelay $0x3  }
0x94: {  	_ =	strace s3  }
0x95: {  	s3 =	sld [smem:$0x3FFD];
	_ =	sdelay $0x3  }
0x96: {  	_ =	strace s3  }
0x97: {  	_ =	strace $0x8FFFFFFF  }
0x98: {  	s19 =	sld [smem:$0x3FDB];
	_ =	sdelay $0x1  }
0x99: {  	s4 =	simm.s32 $_scs_section_size  }
0x9a: {  	s5 =	simm.s32 $_size__tile_overlayer_lowered;
	s6 =	simm.s32 $_tile_overlayer_lowered  }
0x9b: {  	s22 =	simm.s32 $0x1BFF;
	s21 =	sshll.u32 s6, $0x1;
	s3 =	sadd.s32 s4, s19  }
0x9c: {  	s7 =	simm.s32 $0x0;
	s20 =	sshll.u32 s5, $0x1;
	s5 =	sadd.s32 s21, s3  }
0x9d: {  	[timem:s7], [sflag:s22] =	dma.local [hbm:s5], s20  }
0x9e: {  	_ =	swait.ge [sflag:s22], s20  }
0x9f: {  	s4 =	ssub.s32 $0x0, s20;
	[sflag:s22] =	ssyncset.done $0x0  }
0xa0: {  	[sflag:s22] =	ssyncadd.s32 s4;
	_ =	sdelay $0x1  }
0xa1: {  	s23 =	simm.s32 $0x1B8B  }
0xa2: {  	_ =	swait.ge [sflag:s23], $0x1  }
0xa3: {  	[sflag:s23] =	ssyncset.done $0x0  }
0xa4: {  	s25 =	simm.s32 $0x1B8E;
	s24 =	sld [smem:$0x3FFE];
	[sflag:s23] =	ssyncadd.s32 $0xFFFFFFFF  }
0xa5: {  	s26 =	simm.s32 $execute0_lowered;
	[smem:$0x3FD2] =	sst s25  }
0xa6: {  	s5 =	sshll.u32 s26, $0x1;
	_ =	strace $0x80000049;
	[dreg:$0x1] =	wrdreg $0xFFFFFFFF  }
0xa7: {  	s28 =	simm.s32 $_size_execute0_lowered;
	s3 =	sadd.s32 s3, s5;
	[dreg:$0x0] =	wrdreg $0x0  }
0xa8: {  	s5 =	sshll.u32 s28, $0x1;
	[dreg:$0x2] =	wrdreg s3  }
0xa9: {  	[dreg:$0x3] =	wrdreg s5  }
0xaa: {  	[dreg:$0x4] =	wrdreg $0xC0  }
0xab: {  	_ =	task [dreg:s7], $0x5FFFF  }
0xac: {  	[dreg:$0x1] =	wrdreg $0xFFFFFFFF  }
0xad: {  	[dreg:$0x0] =	wrdreg $0x60  }
0xae: {  	[dreg:$0x2] =	wrdreg s2  }
0xaf: {  	[dreg:$0x3] =	wrdreg s24  }
0xb0: {  	[dreg:$0x4] =	wrdreg $0x0  }
0xb1: {  	[dreg:$0x5] =	wrdreg $0x9  }
0xb2: {  	_ =	task.clear_ibuf [dreg:s7], $0x6FFFF;
	_ =	strace $0x90000049  }
0xb3: {  	s29 =	simm.s32 $0x9;
	_ =	strace $0x8000004B  }
0xb4: {  	_ =	swait.ge [sflag:s29], $0x1  }
0xb5: {  	[sflag:s29] =	ssyncadd.s32 $0xFFFFFFFF  }
0xb6: {  	_ =	strace $0x9000004B  }
0xb7: {  	_ =	sfence  }
0xb8: {  	s30 =	sld [smem:$0x0];
	_ =	sdelay $0x2  }
0xb9: {  	s31 =	sshll.u32 s1, $0xD;
	s1 =	sshrl.u32 s1, $0x2  }
0xba: {  	s3 =	sand.u32 $0x4000, s31;
	s1 =	sadd.s32 s1, s30  }
0xbb: {  	s0 =	sor.u32 s3, s0;
	s1 =	sshll.u32 s1, $0x11  }
0xbc: {  	s0 =	sor.u32 s1, s0  }
0xbd: {  	s0 =	sadd.s32 $0x8F2B, s0  }
0xbe: {  	[sflag:s0] =	ssyncadd.remote.s32 $0x1  }
0xbf: {  	_ =	sfence.sel $0xFFFF  }
0xc0: {  	[dreg:$0x0] =	wrdreg $0xFFFFFFFF;
	(pc) =	sbr.abs _section_cstart, $3  }
0xc1: {  	[dreg:$0x1] =	wrdreg $0xFFFFFFFF  }
0xc2: {  	_ =	task.clear_ibuf [dreg:s7], $0x2FFFF;
	_ =	strace $0x9FFFFFFF  }
0xc3: {  	(tm) =	ssettm $0x7FFFFFFF  }
tec
execute0_lowered:
.L_overlay_start_1:
0x0: {  	(tag) =	ssettag $0x1  }
0x1: {  	s7 =	rddreg [dreg:$0x0]  }
0x2: {  	s4 =	rddreg [dreg:$0x1];
	s1 =	srdreg.scid  }
0x3: {  	s0 =	stileid.u32;
	s2 =	rddreg [dreg:$0x2]  }
0x4: {  	s3 =	simm.s32 $0x0;
	s13 =	simm.s32 $0x3FF0;
	s14 =	simm.s32 $0x6770  }
0x5: {  	s15 =	simm.s32 $0x8EF0;
	s16 =	simm.s32 $0x1;
	s17 =	simm.s32 $0x2  }
0x6: {  	s18 =	simm.s32 $0x2710;
	s19 =	simm.s32 $0x3;
	s6 =	smul.u32 $0x1870, s0  }
0x7: {  	s20 =	simm.s32 $0x4;
	s21 =	simm.s32 $0x0;
	s10 =	smul.u32 $0x61A80, s0  }
0x8: {  	s5 =	sand.u32 $0x1, s1;
	s1 =	rddreg [dreg:$0x3];
	s31 =	smul.u32 $0xC350, s0  }
0x9: {  	[smem:$0x7FF] =	sst s3;
	s11 =	sadd.s32 $0xC00, s4;
	s8 =	smul.u32 $0x18700, s5  }
0xa: {  	_ =	strace $0x8000004A;
	s9 =	smul.u32 $0x61A800, s5;
	s5 =	ssub.s32 $0x2, s5  }
0xb: {  	s30 =	sshrl.u32 s5, $0x1;
	s7 =	sadd.s32 s31, s7;
	s8 =	sadd.s32 s6, s8  }
0xc: {  	s12 =	ssub.s32 s5, s30;
	s9 =	sadd.s32 s10, s9;
	s8 =	sshrl.u32 s8, $0x3  }
0xd: {  	s10 =	sadd.s32 $0x2710, s9;
	s9 =	sshrl.u32 s9, $0x3;
	s8 =	sadd.s32 s8, s4  }
0xe: {  	s4 =	sadd.s32 s6, s2;
	s6 =	smax.u32 s12, $0x1;
	s10 =	sshrl.u32 s10, $0x3  }
0xf: {  	s12 =	simm.s32 $0x1870;
	s5 =	sadd.s32 $0x187600, s8;
	s8 =	sadd.s32 s9, s11  }
0x10: {  	v0 =	vimm.f32 $0.0e+00;
	s9 =	sadd.s32 s10, s11;
	s10 =	simm.s32 $0xB670;
	s11 =	simm.s32 $0x5  }
.LBB2_1:
0x11: {  	s22 =	simm.s32 $0x40;
	s23 =	simm.s32 $0x0  }
.LBB2_2:
0x12: {  	p0 =	sne.s32 s22, $0x6180;
	[tilespmem:s23+$0xB670] =	vst v0;
	s23 =	smov.u32 s22;
	s22 =	sadd.s32 $0x40, s22  }
.Ltmp0:
0x13: {  	(pc) =	sbr.rel @p0 .LBB2_2-.Ltmp0, $2  }
0x14: {  	_ =	sdelay $0x2  }
0x15: {  	s23 =	sshra.s32 s23, $0x2  }
0x16: {  	[tilespmem:s23+$0xB670] =	vst v0  }
0x17: {  	[spmem:s4] =	stream.linear.scatter [tilespmem:s10], [sflag:$0x5], $0x1870, $0x38;
	[tilespmem:$0xCEF0] =	vst v63  }
0x18: {  	_ =	swait.ge [sflag:s11], $0x1870  }
0x19: {  	[sflag:s11] =	ssyncset.done $0x0  }
0x1a: {  	[sflag:s11] =	ssyncadd.s32 $0xFFFFE790  }
0x1b: {  	s22 =	sadd.s32 $0x0, s8;
	[bflag:$0x0] =	sbarrier.arrive $0xFFFF  }
0x1c: {  	[tilespmem:s12], [sflag:$0x1] =	stream.linear.gather [hbm4b:s22+s3], $0x2710, $0x38;
	[tilespmem:$0xCEF0] =	vst v63  }
0x1d: {  	s30 =	sadd.s32 $0x0, s7  }
0x1e: {  	[tilespmem:s13], [sflag:$0x2] =	stream.linear.gather [hbm4b:s30+s3], $0x2710, $0x38;
	[tilespmem:$0xCEF0] =	vst v63  }
0x1f: {  	s31 =	sadd.s32 $0x0, s9  }
0x20: {  	[tilespmem:s14], [sflag:$0x3] =	stream.linear.gather [hbm4b:s31+s3], $0x2710, $0x38;
	[tilespmem:$0xCEF0] =	vst v63  }
0x21: {  	s22 =	sadd.s32 $0x4E2, s30  }
0x22: {  	[tilespmem:s15], [sflag:$0x4] =	stream.linear.gather [hbm4b:s22+s3], $0x2710, $0x38;
	[tilespmem:$0xCEF0] =	vst v63  }
0x23: {  	_ =	swait.ge [sflag:s16], $0x2710  }
0x24: {  	[sflag:s16] =	ssyncset.done $0x0  }
0x25: {  	[sflag:s16] =	ssyncadd.s32 $0xFFFFD8F0  }
0x26: {  	_ =	swait.ge [sflag:s17], $0x2710  }
0x27: {  	[sflag:s17] =	ssyncset.done $0x0  }
0x28: {  	[sflag:s17] =	ssyncadd.s32 $0xFFFFD8F0  }
0x29: {  	[spmem:s2] =	stream.indirect.scatter.add.f32 [tilespmem:s13], [sflag:$0x5], $0x1, s12, s18, $0xb8;
	[tilespmem:$0xCEF0] =	vst v63  }
0x2a: {  	_ =	swait.ge [sflag:s11], $0x2710  }
0x2b: {  	[sflag:s11] =	ssyncset.done $0x0  }
0x2c: {  	[sflag:s11] =	ssyncadd.s32 $0xFFFFD8F0  }
0x2d: {  	_ =	swait.ge [sflag:s19], $0x2710  }
0x2e: {  	[sflag:s19] =	ssyncset.done $0x0  }
0x2f: {  	[sflag:s19] =	ssyncadd.s32 $0xFFFFD8F0  }
0x30: {  	_ =	swait.ge [sflag:s20], $0x2710  }
0x31: {  	[sflag:s20] =	ssyncset.done $0x0  }
0x32: {  	[sflag:s20] =	ssyncadd.s32 $0xFFFFD8F0  }
0x33: {  	[spmem:s2] =	stream.indirect.scatter.add.f32 [tilespmem:s15], [sflag:$0x5], $0x1, s14, s18, $0xb8;
	[tilespmem:$0xCEF0] =	vst v63  }
0x34: {  	_ =	swait.ge [sflag:s11], $0x2710  }
0x35: {  	s23 =	simm.s32 $0x1388;
	s22 =	simm.s32 $0x9C4;
	[sflag:s11] =	ssyncset.done $0x0  }
.LBB2_4:
0x36: {  	s24 =	sadd.s32 s22, s8  }
0x37: {  	[sflag:s11] =	ssyncadd.s32 $0xFFFFD8F0;
	s25 =	smov.u32 s23;
	s26 =	sadd.s32 $0x9C4, s23  }
0x38: {  	[tilespmem:s12], [sflag:$0x1] =	stream.linear.gather [hbm4b:s24+s3], $0x2710, $0x38;
	[tilespmem:$0xCEF0] =	vst v63  }
0x39: {  	p0 =	sne.s32 s23, $0xB98C;
	s23 =	sadd.s32 s22, s7  }
0x3a: {  	[tilespmem:s13], [sflag:$0x2] =	stream.linear.gather [hbm4b:s23+s3], $0x2710, $0x38;
	[tilespmem:$0xCEF0] =	vst v63  }
0x3b: {  	s24 =	sadd.s32 s22, s9;
	s22 =	smov.u32 s25  }
0x3c: {  	[tilespmem:s14], [sflag:$0x3] =	stream.linear.gather [hbm4b:s24+s3], $0x2710, $0x38;
	[tilespmem:$0xCEF0] =	vst v63  }
0x3d: {  	s23 =	sadd.s32 $0x4E2, s23  }
0x3e: {  	[tilespmem:s15], [sflag:$0x4] =	stream.linear.gather [hbm4b:s23+s3], $0x2710, $0x38;
	[tilespmem:$0xCEF0] =	vst v63  }
0x3f: {  	_ =	swait.ge [sflag:s16], $0x2710  }
0x40: {  	[sflag:s16] =	ssyncset.done $0x0  }
0x41: {  	[sflag:s16] =	ssyncadd.s32 $0xFFFFD8F0  }
0x42: {  	_ =	swait.ge [sflag:s17], $0x2710  }
0x43: {  	[sflag:s17] =	ssyncset.done $0x0  }
0x44: {  	[sflag:s17] =	ssyncadd.s32 $0xFFFFD8F0  }
0x45: {  	[spmem:s2] =	stream.indirect.scatter.add.f32 [tilespmem:s13], [sflag:$0x5], $0x1, s12, s18, $0xb8;
	[tilespmem:$0xCEF0] =	vst v63  }
0x46: {  	_ =	swait.ge [sflag:s11], $0x2710  }
0x47: {  	[sflag:s11] =	ssyncset.done $0x0  }
0x48: {  	[sflag:s11] =	ssyncadd.s32 $0xFFFFD8F0  }
0x49: {  	_ =	swait.ge [sflag:s19], $0x2710  }
0x4a: {  	[sflag:s19] =	ssyncset.done $0x0  }
0x4b: {  	[sflag:s19] =	ssyncadd.s32 $0xFFFFD8F0  }
0x4c: {  	_ =	swait.ge [sflag:s20], $0x2710  }
.Ltmp1:
0x4d: {  	[sflag:s20] =	ssyncset.done $0x0;
	(pc) =	sbr.rel @p0 .LBB2_4-.Ltmp1, $4  }
0x4e: {  	[sflag:s20] =	ssyncadd.s32 $0xFFFFD8F0  }
0x4f: {  	[spmem:s2] =	stream.indirect.scatter.add.f32 [tilespmem:s15], [sflag:$0x5], $0x1, s14, s18, $0xb8;
	[tilespmem:$0xCEF0] =	vst v63  }
0x50: {  	_ =	swait.ge [sflag:s11], $0x2710  }
0x51: {  	s23 =	smov.u32 s26;
	[sflag:s11] =	ssyncset.done $0x0  }
0x52: {  	s23 =	sadd.s32 s22, s8;
	[sflag:s11] =	ssyncadd.s32 $0xFFFFD8F0  }
0x53: {  	[tilespmem:s12], [sflag:$0x1] =	stream.linear.gather [hbm4b:s23+s3], $0x2710, $0x38;
	[tilespmem:$0xCEF0] =	vst v63  }
0x54: {  	s29 =	sadd.s32 s22, s7  }
0x55: {  	[tilespmem:s13], [sflag:$0x2] =	stream.linear.gather [hbm4b:s29+s3], $0x2710, $0x38;
	[tilespmem:$0xCEF0] =	vst v63  }
0x56: {  	s30 =	sadd.s32 s22, s9  }
0x57: {  	[tilespmem:s14], [sflag:$0x3] =	stream.linear.gather [hbm4b:s30+s3], $0x2710, $0x38;
	[tilespmem:$0xCEF0] =	vst v63  }
0x58: {  	s31 =	sadd.s32 $0x4E2, s29  }
0x59: {  	[tilespmem:s15], [sflag:$0x4] =	stream.linear.gather [hbm4b:s31+s3], $0x2710, $0x38;
	[tilespmem:$0xCEF0] =	vst v63  }
0x5a: {  	_ =	swait.ge [sflag:s16], $0x2710  }
0x5b: {  	[sflag:s16] =	ssyncset.done $0x0  }
0x5c: {  	[sflag:s16] =	ssyncadd.s32 $0xFFFFD8F0  }
0x5d: {  	_ =	swait.ge [sflag:s17], $0x2710  }
0x5e: {  	[sflag:s17] =	ssyncset.done $0x0  }
0x5f: {  	[sflag:s17] =	ssyncadd.s32 $0xFFFFD8F0  }
0x60: {  	[spmem:s2] =	stream.indirect.scatter.add.f32 [tilespmem:s13], [sflag:$0x5], $0x1, s12, s18, $0xb8;
	[tilespmem:$0xCEF0] =	vst v63  }
0x61: {  	_ =	swait.ge [sflag:s11], $0x2710  }
0x62: {  	[sflag:s11] =	ssyncset.done $0x0  }
0x63: {  	[sflag:s11] =	ssyncadd.s32 $0xFFFFD8F0  }
0x64: {  	_ =	swait.ge [sflag:s19], $0x2710  }
0x65: {  	[sflag:s19] =	ssyncset.done $0x0  }
0x66: {  	[sflag:s19] =	ssyncadd.s32 $0xFFFFD8F0  }
0x67: {  	_ =	swait.ge [sflag:s20], $0x2710  }
0x68: {  	[sflag:s20] =	ssyncset.done $0x0  }
0x69: {  	[sflag:s20] =	ssyncadd.s32 $0xFFFFD8F0  }
0x6a: {  	[spmem:s2] =	stream.indirect.scatter.add.f32 [tilespmem:s15], [sflag:$0x5], $0x1, s14, s18, $0xb8;
	[tilespmem:$0xCEF0] =	vst v63  }
0x6b: {  	_ =	swait.ge [sflag:s11], $0x2710  }
0x6c: {  	[sflag:s11] =	ssyncset.done $0x0  }
0x6d: {  	[sflag:s11] =	ssyncadd.s32 $0xFFFFD8F0  }
0x6e: {  	[bflag:$0x0] =	sbarrier.arrive $0xFFFF  }
0x6f: {  	[tilespmem:s10], [sflag:$0x5] =	stream.linear.gather [spmem:s4], $0x1870, $0x38;
	[tilespmem:$0xCEF0] =	vst v63  }
0x70: {  	_ =	swait.ge [sflag:s11], $0x1870  }
0x71: {  	[sflag:s11] =	ssyncset.done $0x0  }
0x72: {  	s22 =	simm.s32 $0x0;
	s23 =	simm.s32 $0x40;
	[sflag:s11] =	ssyncadd.s32 $0xFFFFE790  }
.LBB2_6:
0x73: {  	p0 =	sne.s32 s23, $0x6180;
	v1 =	vld [tilespmem:s22+$0xB670];
	_ =	sdelay $0x4  }
0x74: {  	v2 =	vshrl.u32 v1, $0x1;
	v1 =	vmul.f32 $5.000000000e-01, v1  }
0x75: {  	v2 =	vsub.s32 $0x5F3759DF, v2  }
0x76: {  	v3 =	vmul.f32 v2, v1;
	_ =	sdelay $0x1  }
0x77: {  	v3 =	vmul.f32 v2, v3;
	_ =	sdelay $0x1  }
0x78: {  	v3 =	vsub.f32 $1.500000000e+00, v3;
	_ =	sdelay $0x1  }
0x79: {  	v2 =	vmul.f32 v2, v3;
	_ =	sdelay $0x1  }
0x7a: {  	v3 =	vmul.f32 v2, v1;
	_ =	sdelay $0x1  }
0x7b: {  	v3 =	vmul.f32 v3, v2;
	_ =	sdelay $0x1  }
0x7c: {  	v3 =	vsub.f32 $1.500000000e+00, v3;
	_ =	sdelay $0x1  }
0x7d: {  	v2 =	vmul.f32 v3, v2;
	_ =	sdelay $0x1  }
0x7e: {  	v1 =	vmul.f32 v2, v1;
	_ =	sdelay $0x1  }
0x7f: {  	v1 =	vmul.f32 v1, v2;
	_ =	sdelay $0x1  }
.Ltmp2:
0x80: {  	v1 =	vsub.f32 $1.500000000e+00, v1;
	(pc) =	sbr.rel @p0 .LBB2_6-.Ltmp2, $3  }
0x81: {  	_ = 	snop  }
0x82: {  	v1 =	vmul.f32 v1, v2;
	_ =	sdelay $0x1  }
0x83: {  	[tilespmem:s22+$0xB670] =	vst v1;
	s22 =	sshra.s32 s23, $0x2;
	s23 =	sadd.s32 $0x40, s23  }
0x84: {  	v1 =	vld [tilespmem:s22+$0xB670];
	_ =	sdelay $0x4  }
0x85: {  	v2 =	vshrl.u32 v1, $0x1;
	v1 =	vmul.f32 $5.000000000e-01, v1  }
0x86: {  	v2 =	vsub.s32 $0x5F3759DF, v2  }
0x87: {  	v3 =	vmul.f32 v2, v1;
	_ =	sdelay $0x1  }
0x88: {  	v3 =	vmul.f32 v2, v3;
	_ =	sdelay $0x1  }
0x89: {  	v3 =	vsub.f32 $1.500000000e+00, v3;
	_ =	sdelay $0x1  }
0x8a: {  	v2 =	vmul.f32 v2, v3;
	_ =	sdelay $0x1  }
0x8b: {  	v3 =	vmul.f32 v2, v1;
	_ =	sdelay $0x1  }
0x8c: {  	v3 =	vmul.f32 v3, v2;
	_ =	sdelay $0x1  }
0x8d: {  	v3 =	vsub.f32 $1.500000000e+00, v3;
	_ =	sdelay $0x1  }
0x8e: {  	v2 =	vmul.f32 v3, v2;
	_ =	sdelay $0x1  }
0x8f: {  	v1 =	vmul.f32 v2, v1;
	_ =	sdelay $0x1  }
0x90: {  	v1 =	vmul.f32 v1, v2;
	_ =	sdelay $0x1  }
0x91: {  	v1 =	vsub.f32 $1.500000000e+00, v1;
	_ =	sdelay $0x1  }
0x92: {  	s21 =	sadd.s32 $0x1, s21;
	v1 =	vmul.f32 v1, v2  }
0x93: {  	p0 =	sne.s32 s21, s6  }
.Ltmp3:
0x94: {  	[tilespmem:s22+$0xB670] =	vst v1;
	(pc) =	sbr.rel @p0 .LBB2_1-.Ltmp3, $4  }
0x95: {  	[hbm4b:s5+s3] =	stream.linear.scatter [tilespmem:s10], [sflag:$0x5], $0x1870, $0x38;
	[tilespmem:$0xCEF0] =	vst v63  }
0x96: {  	_ =	swait.ge [sflag:s11], $0x1870  }
0x97: {  	[sflag:s11] =	ssyncset.done $0x0  }
0x98: {  	[sflag:s11] =	ssyncadd.s32 $0xFFFFE790  }
0x99: {  	_ =	sfence.sel $0x180000  }
0x9a: {  	[bflag:$0x0] =	sbarrier.arrive $0xFFFF  }
0x9b: {  	p0 =	sne.s32 s0, $0x0;
	_ =	strace $0x9000004A  }
0x9c: {  	s0 =	sadd.s32 @!p0 $0x100000, s1;
	[bflag:$0x2] =	sbarrier.arrive $0xFFFF  }
0x9d: {  	[sflag:s0] =	ssyncadd.tile.s32 @!p0 $0x1;
	_ =	shalt  }
.Lfunc_end2:
_tile_overlayer_lowered:
.L_overlay_start_2:
0x9e: {  	(tag) =	ssettag $0x2  }
0x9f: {  	s0 =	rddreg [dreg:$0x0];
	s2 =	stileid.u32  }
0xa0: {  	s1 =	rddreg [dreg:$0x1];
	p0 =	sne.s32 s2, $0x0  }
0xa1: {  	s3 =	rddreg [dreg:$0x2];
	[bflag:$0x3] =	sbarrier.arrive $0xFFFF;
	s2 =	simm.s32 @!p0 $0x1C05  }
0xa2: {  	[timem:s3], [sflag:s2] =	dma.local @!p0 [hbm:s0], s1  }
0xa3: {  	s0 =	simm.s32 @!p0 $0x5  }
0xa4: {  	_ =	swait.ge @!p0 [sflag:s0], s1  }
0xa5: {  	s1 =	ssub.s32 @!p0 $0x0, s1;
	[sflag:s0] =	ssyncset.done @!p0 $0x0  }
0xa6: {  	[sflag:s0] =	ssyncadd.s32 @!p0 s1  }
0xa7: {  	[bflag:$0x3] =	sbarrier.arrive $0xFFFF  }
0xa8: {  	_ =	shalt  }

// kernel: kernel.7.cloned.1.call-start
scs
__scs_entry_jumppad:
0x0: {  	(pc) =	sbr.rel $0x88, $3  }
0x1: {  	(tag) =	ssettag $0x0;
	lr =	simm.s32 $0x1  }
0x2: {  	[smem:$0x3F9F] =	sst lr;
	_ =	strace $0xD0000000  }
0x3: {  	_ = 	snop  }
0x4: {  	_ = 	snop  }
0x5: {  	_ = 	snop  }
0x6: {  	_ = 	snop  }
0x7: {  	_ = 	snop  }
__scs_overlays_trampoline_lowered:
0x8: {  	[smem:$0x3FAE] =	sst s0  }
0x9: {  	[smem:$0x3FAF] =	sst s1  }
0xa: {  	[smem:$0x3FB0] =	sst s2  }
0xb: {  	[smem:$0x3FB1] =	sst s3  }
0xc: {  	[smem:$0x3FB2] =	sst s4  }
0xd: {  	[smem:$0x3FB3] =	sst s5  }
0xe: {  	[smem:$0x3FB4] =	sst s6  }
0xf: {  	[smem:$0x3FB5] =	sst s7  }
0x10: {  	[smem:$0x3FB6] =	sst s8  }
0x11: {  	[smem:$0x3FB7] =	sst s9;
	s0 =	simm.s32 @!p0 $0x0  }
0x12: {  	s1 =	sld [smem:$0x3F9D];
	s0 =	simm.s32 @p0 $0x1  }
0x13: {  	[smem:$0x3FB8] =	sst s0;
	s0 =	simm.s32 @!p1 $0x0  }
0x14: {  	s2 =	sld [smem:$0x3F9C];
	s0 =	simm.s32 @p1 $0x1  }
0x15: {  	[smem:$0x3FB9] =	sst s0;
	s0 =	simm.s32 @!p2 $0x0  }
0x16: {  	s3 =	sld [smem:$0x3FDB];
	s0 =	simm.s32 @p2 $0x1  }
0x17: {  	s4 =	simm.s32 $0x1BF5;
	[smem:$0x3FBB] =	sst s0  }
0x18: {  	s0 =	sld [smem:$0x3F9E];
	_ =	swait.ge [sflag:s4], $0x0  }
0x19: {  	s7 =	sld [smem:$0x3F9F]  }
0x1a: {  	s8 =	sadd.s32 $0xFFFFE003, lr  }
0x1b: {  	s9 =	sadd.s32 $0xFFFFFEF7, lr;
	s5 =	simm.s32 $0xFFFFFFFF;
	p2 =	slt.u32 s8, $0xFFFFF086  }
0x1c: {  	p1 =	slt.u32 s9, $0xF7A;
	s5 =	simm.s32 @!p2 $0x0  }
0x1d: {  	s5 =	simm.s32 @p1 $0x1;
	p0 =	seq.s32 s7, s2  }
0x1e: {  	s7 =	smul.u32 @!p0 $0xF7A, s2;
	p2 =	seq.s32 @!p0 s5, $0x0  }
0x1f: {  	s9 =	smul.u32 $0xF7A, s1;
	s8 =	simm.s32 @!p0 $0x1BF5;
	p2 =	por !p2, p0  }
0x20: {  	[sflag:s8] =	ssyncset.s32 @!p0 $0xFFFFF086;
	s6 =	sadd.s32 @!p0 s3, s7;
	s7 =	simm.s32 @!p0 $0x108  }
0x21: {  	s3 =	sadd.s32 s3, s9;
	s6 =	sadd.s32 @!p0 $0x88, s6;
	s7 =	simm.s32 @p2 $0x1082  }
0x22: {  	[simem:s7], [sflag:s8] =	dma.local @!p0 [hbm:s6], $0xF7A  }
0x23: {  	s9 =	sor.u32 $0xD0000000, s2;
	s6 =	simm.s32 $0x108;
	_ =	swait.ge @!p0 [sflag:s8], $0x0  }
0x24: {  	s3 =	sadd.s32 $0x88, s3;
	s6 =	simm.s32 @!p1 $0x1082;
	[sflag:s4] =	ssyncset.s32 $0xFFFFF086  }
0x25: {  	[simem:s6], [sflag:s4] =	dma.local [hbm:s3], $0xF7A  }
0x26: {  	[smem:$0x3F9F] =	sst s1;
	(tag) =	ssettag s2;
	_ =	strace s9  }
0x27: {  	s1 =	sld [smem:$0x3FAF]  }
0x28: {  	s2 =	sld [smem:$0x3FB0]  }
0x29: {  	s4 =	sld [smem:$0x3FB2]  }
0x2a: {  	p0 =	seq.s32 s5, $0x0;
	s5 =	sld [smem:$0x3FB3]  }
0x2b: {  	s6 =	sld [smem:$0x3FB4]  }
0x2c: {  	s7 =	sld [smem:$0x3FB5]  }
0x2d: {  	s3 =	simm.s32 $0x108;
	s8 =	sld [smem:$0x3FB6]  }
0x2e: {  	s3 =	simm.s32 @!p0 $0x1082;
	s9 =	sld [smem:$0x3FB7]  }
0x2f: {  	lr =	sadd.s32 s0, s3;
	s0 =	sld [smem:$0x3FAE]  }
0x30: {  	s3 =	sld [smem:$0x3FB1]  }
0x31: {  	[smem:$0x3FBA] =	sst s10  }
0x32: {  	s10 =	sld [smem:$0x3FB8];
	_ =	sdelay $0x3  }
0x33: {  	p0 =	seq.s32 s10, $0x1;
	s10 =	sld [smem:$0x3FBA];
	_ =	sdelay $0x3  }
0x34: {  	[smem:$0x3FBA] =	sst s10  }
0x35: {  	s10 =	sld [smem:$0x3FB9];
	_ =	sdelay $0x3  }
0x36: {  	p1 =	seq.s32 s10, $0x1;
	s10 =	sld [smem:$0x3FBA];
	_ =	sdelay $0x3  }
0x37: {  	[smem:$0x3FBA] =	sst s10  }
0x38: {  	s10 =	sld [smem:$0x3FBB]  }
0x39: {  	_ = 	snop;
	(pc) =	sbr.ind lr, $3  }
0x3a: {  	_ = 	snop  }
0x3b: {  	_ = 	snop  }
0x3c: {  	p2 =	seq.s32 s10, $0x1;
	s10 =	sld [smem:$0x3FBA]  }
0x3d: {  	_ =	shalt  }
0x3e: {  	_ =	shalt  }
0x3f: {  	_ =	shalt  }
0x40: {  	_ =	shalt  }
0x41: {  	_ =	shalt  }
0x42: {  	_ =	shalt  }
0x43: {  	_ =	shalt  }
0x44: {  	_ =	shalt  }
0x45: {  	_ =	shalt  }
0x46: {  	_ =	shalt  }
0x47: {  	_ =	shalt  }
0x48: {  	_ =	shalt  }
0x49: {  	_ =	shalt  }
0x4a: {  	_ =	shalt  }
0x4b: {  	_ =	shalt  }
0x4c: {  	_ =	shalt  }
0x4d: {  	_ =	shalt  }
0x4e: {  	_ =	shalt  }
0x4f: {  	_ =	shalt  }
0x50: {  	_ =	shalt  }
0x51: {  	_ =	shalt  }
0x52: {  	_ =	shalt  }
0x53: {  	_ =	shalt  }
0x54: {  	_ =	shalt  }
0x55: {  	_ =	shalt  }
0x56: {  	_ =	shalt  }
0x57: {  	_ =	shalt  }
0x58: {  	_ =	shalt  }
0x59: {  	_ =	shalt  }
0x5a: {  	_ =	shalt  }
0x5b: {  	_ =	shalt  }
0x5c: {  	_ =	shalt  }
0x5d: {  	_ =	shalt  }
0x5e: {  	_ =	shalt  }
0x5f: {  	_ =	shalt  }
0x60: {  	_ =	shalt  }
0x61: {  	_ =	shalt  }
0x62: {  	_ =	shalt  }
0x63: {  	_ =	shalt  }
0x64: {  	_ =	shalt  }
0x65: {  	_ =	shalt  }
0x66: {  	_ =	shalt  }
0x67: {  	_ =	shalt  }
0x68: {  	_ =	shalt  }
0x69: {  	_ =	shalt  }
0x6a: {  	_ =	shalt  }
0x6b: {  	_ =	shalt  }
0x6c: {  	_ =	shalt  }
0x6d: {  	_ =	shalt  }
0x6e: {  	_ =	shalt  }
0x6f: {  	_ =	shalt  }
0x70: {  	_ =	shalt  }
0x71: {  	_ =	shalt  }
0x72: {  	_ =	shalt  }
0x73: {  	_ =	shalt  }
0x74: {  	_ =	shalt  }
0x75: {  	_ =	shalt  }
0x76: {  	_ =	shalt  }
0x77: {  	_ =	shalt  }
0x78: {  	_ =	shalt  }
0x79: {  	_ =	shalt  }
0x7a: {  	_ =	shalt  }
0x7b: {  	_ =	shalt  }
0x7c: {  	_ =	shalt  }
0x7d: {  	_ =	shalt  }
0x7e: {  	_ =	shalt  }
0x7f: {  	_ =	shalt  }
0x80: {  	_ =	shalt  }
0x81: {  	_ =	shalt  }
0x82: {  	_ =	shalt  }
0x83: {  	_ =	shalt  }
0x84: {  	_ =	shalt  }
0x85: {  	_ =	shalt  }
0x86: {  	_ =	shalt  }
0x87: {  	_ =	shalt  }
.Lfunc_end0:
.L_simem_size_0:
called_computation.2_lowered:
.L_overlay_start_0:
0x88: {  	s2 =	sld [smem:$0x3FD9]  }
0x89: {  	s3 =	sld [smem:$0x3FFE];
	_ =	sdelay $0x1  }
0x8a: {  	s1 =	srdreg.scid  }
0x8b: {  	s0 =	sand.u32 $0x1, s1  }
0x8c: {  	s17 =	sshll.u32 s0, $0xA;
	s2 =	sadd.s32 s3, s2  }
0x8d: {  	s2 =	sadd.s32 s2, s17  }
0x8e: {  	[smem:$0x3FC6] =	sst s2  }
0x8f: {  	_ = 	snop  }
0x90: {  	s2 =	sld [smem:$0x3FC9]  }
0x91: {  	s18 =	sld [smem:$0x3FD0];
	(tm) =	ssettm $0x1  }
0x92: {  	s4 =	sld [smem:$0x3FFB];
	_ =	sdelay $0x3  }
0x93: {  	_ =	strace s4  }
0x94: {  	s4 =	sld [smem:$0x3FFC];
	_ =	sdelay $0x3  }
0x95: {  	_ =	strace s4  }
0x96: {  	s4 =	sld [smem:$0x3FFD];
	_ =	sdelay $0x3  }
0x97: {  	_ =	strace s4  }
0x98: {  	_ =	strace $0x8FFFFFFF  }
0x99: {  	s19 =	sld [smem:$0x3FDB];
	_ =	sdelay $0x1  }
0x9a: {  	s5 =	simm.s32 $_scs_section_size  }
0x9b: {  	s6 =	simm.s32 $_size__tile_overlayer_lowered;
	s7 =	simm.s32 $_tile_overlayer_lowered  }
0x9c: {  	s22 =	simm.s32 $0x1BFF;
	s21 =	sshll.u32 s7, $0x1;
	s4 =	sadd.s32 s5, s19  }
0x9d: {  	s8 =	simm.s32 $0x0;
	s20 =	sshll.u32 s6, $0x1;
	s6 =	sadd.s32 s21, s4  }
0x9e: {  	[timem:s8], [sflag:s22] =	dma.local [hbm:s6], s20  }
0x9f: {  	_ =	swait.ge [sflag:s22], s20  }
0xa0: {  	s5 =	ssub.s32 $0x0, s20;
	[sflag:s22] =	ssyncset.done $0x0  }
0xa1: {  	[sflag:s22] =	ssyncadd.s32 s5;
	_ =	sdelay $0x1  }
0xa2: {  	s23 =	simm.s32 $0x1B8B  }
0xa3: {  	_ =	swait.ge [sflag:s23], $0x1  }
0xa4: {  	[sflag:s23] =	ssyncset.done $0x0  }
0xa5: {  	s25 =	simm.s32 $0x1B8E;
	s24 =	sld [smem:$0x3FFE];
	[sflag:s23] =	ssyncadd.s32 $0xFFFFFFFF  }
0xa6: {  	s26 =	simm.s32 $execute0_lowered;
	[smem:$0x3FD2] =	sst s25  }
0xa7: {  	s6 =	sshll.u32 s26, $0x1;
	_ =	strace $0x8000004C;
	[dreg:$0x1] =	wrdreg $0xFFFFFFFF  }
0xa8: {  	s28 =	simm.s32 $_size_execute0_lowered;
	s4 =	sadd.s32 s4, s6;
	[dreg:$0x0] =	wrdreg $0x0  }
0xa9: {  	s6 =	sshll.u32 s28, $0x1;
	[dreg:$0x2] =	wrdreg s4  }
0xaa: {  	[dreg:$0x3] =	wrdreg s6  }
0xab: {  	[dreg:$0x4] =	wrdreg $0xC0  }
0xac: {  	_ =	task [dreg:s8], $0x5FFFF  }
0xad: {  	[dreg:$0x1] =	wrdreg $0xFFFFFFFF  }
0xae: {  	[dreg:$0x0] =	wrdreg $0x60  }
0xaf: {  	[dreg:$0x2] =	wrdreg s2  }
0xb0: {  	[dreg:$0x3] =	wrdreg s24  }
0xb1: {  	[dreg:$0x4] =	wrdreg s18  }
0xb2: {  	[dreg:$0x5] =	wrdreg $0x0  }
0xb3: {  	[dreg:$0x6] =	wrdreg $0x9  }
0xb4: {  	_ =	task.clear_ibuf [dreg:s8], $0x7FFFF;
	_ =	strace $0x9000004C  }
0xb5: {  	s29 =	simm.s32 $0x9;
	_ =	strace $0x8000004E  }
0xb6: {  	_ =	swait.ge [sflag:s29], $0x1  }
0xb7: {  	[sflag:s29] =	ssyncadd.s32 $0xFFFFFFFF  }
0xb8: {  	_ =	strace $0x9000004E  }
0xb9: {  	_ =	sfence  }
0xba: {  	s30 =	sld [smem:$0x0];
	_ =	sdelay $0x2  }
0xbb: {  	s31 =	sshll.u32 s1, $0xD;
	s1 =	sshrl.u32 s1, $0x2  }
0xbc: {  	s3 =	sand.u32 $0x4000, s31;
	s1 =	sadd.s32 s1, s30  }
0xbd: {  	s0 =	sor.u32 s3, s0;
	s1 =	sshll.u32 s1, $0x11  }
0xbe: {  	s0 =	sor.u32 s1, s0  }
0xbf: {  	s0 =	sadd.s32 $0x8F2B, s0  }
0xc0: {  	[sflag:s0] =	ssyncadd.remote.s32 $0x1  }
0xc1: {  	_ =	sfence.sel $0xFFFF  }
0xc2: {  	[dreg:$0x0] =	wrdreg $0xFFFFFFFF;
	(pc) =	sbr.abs _section_cstart, $3  }
0xc3: {  	[dreg:$0x1] =	wrdreg $0xFFFFFFFF  }
0xc4: {  	_ =	task.clear_ibuf [dreg:s8], $0x2FFFF;
	_ =	strace $0x9FFFFFFF  }
0xc5: {  	(tm) =	ssettm $0x7FFFFFFF  }
tec
execute0_lowered:
.L_overlay_start_1:
0x0: {  	(tag) =	ssettag $0x1  }
0x1: {  	s1 =	rddreg [dreg:$0x0]  }
0x2: {  	s0 =	rddreg [dreg:$0x1]  }
0x3: {  	s2 =	rddreg [dreg:$0x2]  }
0x4: {  	s10 =	rddreg [dreg:$0x3]  }
0x5: {  	s5 =	simm.s32 $0x0;
	s3 =	srdreg.scid;
	s9 =	stileid.u32  }
0x6: {  	s28 =	simm.s32 $0x1870;
	s29 =	simm.s32 $0x19F70;
	s30 =	simm.s32 $0x1A770  }
0x7: {  	s31 =	simm.s32 $0x1B770;
	s12 =	simm.s32 $0x0;
	[smem:$0x7FF] =	sst s5  }
0x8: {  	s3 =	sand.u32 $0x1, s3;
	s7 =	smul.u32 $0x1870, s9;
	s6 =	sadd.s32 $0xC00, s0  }
0x9: {  	s0 =	sadd.s32 $0x187600, s0;
	s14 =	sshll.u32 s9, $0x1;
	s4 =	ssub.s32 $0x2, s3  }
0xa: {  	_ =	strace $0x8000004D;
	s3 =	sor.u32 s3, s14;
	s8 =	sshrl.u32 s4, $0x1  }
0xb: {  	s15 =	sshrl.u32 s7, $0x3;
	s16 =	sadd.s32 $0x7D0, s7;
	s17 =	sadd.s32 s7, s10  }
0xc: {  	s20 =	sadd.s32 $0xFA0, s7;
	s7 =	sadd.s32 $0x1770, s7;
	s4 =	ssub.s32 s4, s8  }
0xd: {  	s11 =	sadd.s32 s0, s15;
	[dreg:$0x7] =	wrdreg s17;
	s8 =	sadd.s32 s16, s10  }
0xe: {  	s18 =	sshrl.u32 s16, $0x3;
	s21 =	sshrl.u32 s20, $0x3;
	[dreg:$0xa] =	wrdreg s8  }
0xf: {  	s23 =	sshrl.u32 s7, $0x3;
	s25 =	sadd.s32 s7, s10;
	[dreg:$0x5] =	wrdreg s11  }
0x10: {  	s9 =	sadd.s32 $0x30E0, s11;
	s19 =	sadd.s32 $0x31DA, s11;
	[dreg:$0x10] =	wrdreg s25  }
0x11: {  	s8 =	sadd.s32 s0, s21;
	s22 =	sadd.s32 $0x32D4, s11;
	[dreg:$0x6] =	wrdreg s9  }
0x12: {  	s24 =	sadd.s32 $0x33CE, s11;
	s26 =	smax.u32 s4, $0x1;
	[dreg:$0x9] =	wrdreg s19  }
0x13: {  	s21 =	simm.s32 $0x1AF70;
	s25 =	simm.s32 $0x1CF70;
	[dreg:$0xb] =	wrdreg s8  }
0x14: {  	s4 =	simm.s32 $0x1;
	s11 =	simm.s32 $0x8;
	[dreg:$0xc] =	wrdreg s22  }
0x15: {  	s9 =	sadd.s32 s0, s18;
	s0 =	sadd.s32 s0, s23;
	[dreg:$0xf] =	wrdreg s24  }
0x16: {  	s19 =	smul.u32 $0x30D40, s3;
	[dreg:$0x11] =	wrdreg s26;
	s22 =	simm.s32 $0x1C770  }
0x17: {  	s23 =	simm.s32 $0x3;
	s24 =	simm.s32 $0x6;
	s26 =	simm.s32 $0x9  }
0x18: {  	s3 =	simm.s32 $0x2;
	s8 =	simm.s32 $0x4;
	[dreg:$0x8] =	wrdreg s9  }
0x19: {  	s9 =	sadd.s32 s20, s10;
	[dreg:$0xe] =	wrdreg s0;
	s0 =	simm.s32 $0x1BF70  }
0x1a: {  	s10 =	simm.s32 $0x7;
	[dreg:$0xd] =	wrdreg s9;
	s9 =	simm.s32 $0x5  }
.LBB2_1:
0x1b: {  	s7 =	rddreg [dreg:$0x5]  }
0x1c: {  	[tilespmem:s21], [sflag:$0x3] =	stream.linear.gather [hbm4b:s7+s5], $0x7D0, $0x38;
	[tilespmem:$0x1D770] =	vst v63  }
0x1d: {  	s20 =	rddreg [dreg:$0x6]  }
0x1e: {  	[tilespmem:s22], [sflag:$0x6] =	stream.linear.gather [hbm4b:s20+s5], $0x7D0, $0x38;
	[tilespmem:$0x1D770] =	vst v63  }
0x1f: {  	_ =	swait.ge [sflag:s23], $0x7D0  }
0x20: {  	[sflag:s23] =	ssyncset.done $0x0  }
0x21: {  	[sflag:s23] =	ssyncadd.s32 $0xFFFFF830  }
0x22: {  	_ =	swait.ge [sflag:s24], $0x7D0  }
0x23: {  	[sflag:s24] =	ssyncset.done $0x0  }
0x24: {  	s7 =	simm.s32 $0x0;
	[sflag:s24] =	ssyncadd.s32 $0xFFFFF830  }
0x25: {  	v0 =	vld [tilespmem:s7+$0x1AF70]  }
0x26: {  	v1 =	vld [tilespmem:s7+$0x1C770];
	_ =	sdelay $0x1  }
0x27: {  	s13 =	simm.s32 $0x40  }
.LBB2_2:
0x28: {  	p0 =	sne.s32 s13, $0x1F00  }
.Ltmp0:
0x29: {  	s14 =	sshra.s32 s13, $0x2;
	(pc) =	sbr.rel @p0 .LBB2_2-.Ltmp0, $4  }
0x2a: {  	s13 =	sadd.s32 $0x40, s13;
	v2 =	vadd.s32 $0x8000, v0;
	v0 =	vld [tilespmem:s14+$0x1AF70];
	v3 =	vadd.s32 $0x8000, v1  }
0x2b: {  	v2 =	vshrl.u32 v2, $0x10;
	v1 =	vld [tilespmem:s14+$0x1C770];
	v3 =	vand.u32 $0xFFFF0000, v3  }
0x2c: {  	v2 =	vor.u32 v2, v3  }
0x2d: {  	[tilespmem:s7+$0x1CF70] =	vst v2;
	s7 =	smov.u32 s14  }
0x2e: {  	_ =	sdelay $0x1  }
0x2f: {  	v0 =	vadd.s32 $0x8000, v0;
	v1 =	vadd.s32 $0x8000, v1  }
0x30: {  	v0 =	vshrl.u32 v0, $0x10;
	v1 =	vand.u32 $0xFFFF0000, v1  }
0x31: {  	v0 =	vor.u32 v0, v1  }
0x32: {  	s17 =	rddreg [dreg:$0x7];
	[tilespmem:s7+$0x1CF70] =	vst v0  }
0x33: {  	[spmem:s17] =	stream.linear.scatter [tilespmem:s25], [sflag:$0x9], $0x7D0, $0x38;
	[tilespmem:$0x1D770] =	vst v63  }
0x34: {  	_ =	swait.ge [sflag:s26], $0x7D0  }
0x35: {  	[sflag:s26] =	ssyncset.done $0x0  }
0x36: {  	s18 =	simm.s32 $0x0;
	s13 =	rddreg [dreg:$0x8];
	[sflag:s26] =	ssyncadd.s32 $0xFFFFF830  }
0x37: {  	[tilespmem:s21], [sflag:$0x3] =	stream.linear.gather [hbm4b:s13+s18], $0x7D0, $0x38;
	[tilespmem:$0x1D770] =	vst v63  }
0x38: {  	s20 =	rddreg [dreg:$0x9]  }
0x39: {  	[tilespmem:s22], [sflag:$0x6] =	stream.linear.gather [hbm4b:s20+s18], $0x7D0, $0x38;
	[tilespmem:$0x1D770] =	vst v63  }
0x3a: {  	_ =	swait.ge [sflag:s23], $0x7D0  }
0x3b: {  	[sflag:s23] =	ssyncset.done $0x0  }
0x3c: {  	[sflag:s23] =	ssyncadd.s32 $0xFFFFF830  }
0x3d: {  	_ =	swait.ge [sflag:s24], $0x7D0  }
0x3e: {  	[sflag:s24] =	ssyncset.done $0x0  }
0x3f: {  	s7 =	simm.s32 $0x0;
	[sflag:s24] =	ssyncadd.s32 $0xFFFFF830  }
0x40: {  	v0 =	vld [tilespmem:s7+$0x1AF70]  }
0x41: {  	v1 =	vld [tilespmem:s7+$0x1C770];
	_ =	sdelay $0x1  }
0x42: {  	s13 =	simm.s32 $0x40  }
.LBB2_4:
0x43: {  	p0 =	sne.s32 s13, $0x1F00  }
.Ltmp1:
0x44: {  	s14 =	sshra.s32 s13, $0x2;
	(pc) =	sbr.rel @p0 .LBB2_4-.Ltmp1, $4  }
0x45: {  	s13 =	sadd.s32 $0x40, s13;
	v2 =	vadd.s32 $0x8000, v0;
	v0 =	vld [tilespmem:s14+$0x1AF70];
	v3 =	vadd.s32 $0x8000, v1  }
0x46: {  	v2 =	vshrl.u32 v2, $0x10;
	v1 =	vld [tilespmem:s14+$0x1C770];
	v3 =	vand.u32 $0xFFFF0000, v3  }
0x47: {  	v2 =	vor.u32 v2, v3  }
0x48: {  	[tilespmem:s7+$0x1CF70] =	vst v2;
	s7 =	smov.u32 s14  }
0x49: {  	_ =	sdelay $0x1  }
0x4a: {  	v0 =	vadd.s32 $0x8000, v0;
	v1 =	vadd.s32 $0x8000, v1  }
0x4b: {  	v0 =	vshrl.u32 v0, $0x10;
	v1 =	vand.u32 $0xFFFF0000, v1  }
0x4c: {  	v0 =	vor.u32 v0, v1  }
0x4d: {  	s17 =	rddreg [dreg:$0xa];
	[tilespmem:s7+$0x1CF70] =	vst v0  }
0x4e: {  	[spmem:s17] =	stream.linear.scatter [tilespmem:s25], [sflag:$0x9], $0x7D0, $0x38;
	[tilespmem:$0x1D770] =	vst v63  }
0x4f: {  	_ =	swait.ge [sflag:s26], $0x7D0  }
0x50: {  	[sflag:s26] =	ssyncset.done $0x0  }
0x51: {  	s18 =	simm.s32 $0x0;
	s13 =	rddreg [dreg:$0xb];
	[sflag:s26] =	ssyncadd.s32 $0xFFFFF830  }
0x52: {  	[tilespmem:s21], [sflag:$0x3] =	stream.linear.gather [hbm4b:s13+s18], $0x7D0, $0x38;
	[tilespmem:$0x1D770] =	vst v63  }
0x53: {  	s20 =	rddreg [dreg:$0xc]  }
0x54: {  	[tilespmem:s22], [sflag:$0x6] =	stream.linear.gather [hbm4b:s20+s18], $0x7D0, $0x38;
	[tilespmem:$0x1D770] =	vst v63  }
0x55: {  	_ =	swait.ge [sflag:s23], $0x7D0  }
0x56: {  	[sflag:s23] =	ssyncset.done $0x0  }
0x57: {  	[sflag:s23] =	ssyncadd.s32 $0xFFFFF830  }
0x58: {  	_ =	swait.ge [sflag:s24], $0x7D0  }
0x59: {  	[sflag:s24] =	ssyncset.done $0x0  }
0x5a: {  	s7 =	simm.s32 $0x0;
	[sflag:s24] =	ssyncadd.s32 $0xFFFFF830  }
0x5b: {  	v0 =	vld [tilespmem:s7+$0x1AF70]  }
0x5c: {  	v1 =	vld [tilespmem:s7+$0x1C770];
	_ =	sdelay $0x1  }
0x5d: {  	s13 =	simm.s32 $0x40  }
.LBB2_6:
0x5e: {  	p0 =	sne.s32 s13, $0x1F00  }
.Ltmp2:
0x5f: {  	s14 =	sshra.s32 s13, $0x2;
	(pc) =	sbr.rel @p0 .LBB2_6-.Ltmp2, $4  }
0x60: {  	s13 =	sadd.s32 $0x40, s13;
	v2 =	vadd.s32 $0x8000, v0;
	v0 =	vld [tilespmem:s14+$0x1AF70];
	v3 =	vadd.s32 $0x8000, v1  }
0x61: {  	v2 =	vshrl.u32 v2, $0x10;
	v1 =	vld [tilespmem:s14+$0x1C770];
	v3 =	vand.u32 $0xFFFF0000, v3  }
0x62: {  	v2 =	vor.u32 v2, v3  }
0x63: {  	[tilespmem:s7+$0x1CF70] =	vst v2;
	s7 =	smov.u32 s14  }
0x64: {  	_ =	sdelay $0x1  }
0x65: {  	v0 =	vadd.s32 $0x8000, v0;
	v1 =	vadd.s32 $0x8000, v1  }
0x66: {  	v0 =	vshrl.u32 v0, $0x10;
	v1 =	vand.u32 $0xFFFF0000, v1  }
0x67: {  	v0 =	vor.u32 v0, v1  }
0x68: {  	s17 =	rddreg [dreg:$0xd];
	[tilespmem:s7+$0x1CF70] =	vst v0  }
0x69: {  	[spmem:s17] =	stream.linear.scatter [tilespmem:s25], [sflag:$0x9], $0x7D0, $0x38;
	[tilespmem:$0x1D770] =	vst v63  }
0x6a: {  	_ =	swait.ge [sflag:s26], $0x7D0  }
0x6b: {  	[sflag:s26] =	ssyncset.done $0x0  }
0x6c: {  	s18 =	simm.s32 $0x0;
	s13 =	rddreg [dreg:$0xe];
	[sflag:s26] =	ssyncadd.s32 $0xFFFFF830  }
0x6d: {  	[tilespmem:s21], [sflag:$0x3] =	stream.linear.gather [hbm4b:s13+s18], $0x100, $0x38;
	[tilespmem:$0x1D770] =	vst v63  }
0x6e: {  	s20 =	rddreg [dreg:$0xf]  }
0x6f: {  	[tilespmem:s22], [sflag:$0x6] =	stream.linear.gather [hbm4b:s20+s18], $0x100, $0x38;
	[tilespmem:$0x1D770] =	vst v63  }
0x70: {  	_ =	swait.ge [sflag:s23], $0x100  }
0x71: {  	[sflag:s23] =	ssyncset.done $0x0  }
0x72: {  	[sflag:s23] =	ssyncadd.s32 $0xFFFFFF00  }
0x73: {  	_ =	swait.ge [sflag:s24], $0x100  }
0x74: {  	[sflag:s24] =	ssyncset.done $0x0  }
0x75: {  	s7 =	simm.s32 $0x0;
	[sflag:s24] =	ssyncadd.s32 $0xFFFFFF00  }
0x76: {  	v0 =	vld [tilespmem:s7+$0x1AF70]  }
0x77: {  	v1 =	vld [tilespmem:s7+$0x1C770];
	_ =	sdelay $0x1  }
0x78: {  	s13 =	simm.s32 $0x40  }
.LBB2_8:
0x79: {  	p0 =	sne.s32 s13, $0x3C0  }
.Ltmp3:
0x7a: {  	s14 =	sshra.s32 s13, $0x2;
	(pc) =	sbr.rel @p0 .LBB2_8-.Ltmp3, $4  }
0x7b: {  	s13 =	sadd.s32 $0x40, s13;
	v2 =	vadd.s32 $0x8000, v0;
	v0 =	vld [tilespmem:s14+$0x1AF70];
	v3 =	vadd.s32 $0x8000, v1  }
0x7c: {  	v2 =	vshrl.u32 v2, $0x10;
	v1 =	vld [tilespmem:s14+$0x1C770];
	v3 =	vand.u32 $0xFFFF0000, v3  }
0x7d: {  	v2 =	vor.u32 v2, v3  }
0x7e: {  	[tilespmem:s7+$0x1CF70] =	vst v2;
	s7 =	smov.u32 s14  }
0x7f: {  	_ =	sdelay $0x1  }
0x80: {  	v0 =	vadd.s32 $0x8000, v0;
	v1 =	vadd.s32 $0x8000, v1  }
0x81: {  	v0 =	vshrl.u32 v0, $0x10;
	v1 =	vand.u32 $0xFFFF0000, v1  }
0x82: {  	v0 =	vor.u32 v0, v1  }
0x83: {  	s18 =	rddreg [dreg:$0x10];
	[tilespmem:s7+$0x1CF70] =	vst v0  }
0x84: {  	[spmem:s18] =	stream.linear.scatter [tilespmem:s25], [sflag:$0x9], $0x100, $0x38;
	[tilespmem:$0x1D770] =	vst v63  }
0x85: {  	_ =	swait.ge [sflag:s26], $0x100  }
0x86: {  	[sflag:s26] =	ssyncset.done $0x0  }
0x87: {  	[sflag:s26] =	ssyncadd.s32 $0xFFFFFF00  }
0x88: {  	[bflag:$0x0] =	sbarrier.arrive $0xFFFF  }
0x89: {  	s20 =	rddreg [dreg:$0x3]  }
0x8a: {  	[tilespmem:s28], [sflag:$0x9] =	stream.linear.gather [spmem:s20], $0x18700, $0x38;
	[tilespmem:$0x1D770] =	vst v63  }
0x8b: {  	_ =	swait.ge [sflag:s26], $0x18700  }
0x8c: {  	[sflag:s26] =	ssyncset.done $0x0  }
0x8d: {  	s13 =	simm.s32 $0x0;
	s14 =	simm.s32 $0x0;
	[sflag:s26] =	ssyncadd.s32 $0xFFFE7900  }
.LBB2_10:
0x8e: {  	s7 =	smul.u32 $0xFA0, s14;
	_ =	sdelay $0x1  }
0x8f: {  	s7 =	sadd.s32 s19, s7  }
0x90: {  	s16 =	sshrl.u32 s7, $0x3  }
0x91: {  	s7 =	sadd.s32 s6, s16  }
0x92: {  	[tilespmem:s29], [sflag:$0x1] =	stream.linear.gather [hbm4b:s7+s13], $0x7D0, $0x38;
	[tilespmem:$0x1D770] =	vst v63  }
0x93: {  	s15 =	sadd.s32 $0xC3500, s7  }
0x94: {  	[tilespmem:s30], [sflag:$0x2] =	stream.linear.gather [hbm4b:s15+s13], $0x7D0, $0x38;
	[tilespmem:$0x1D770] =	vst v63  }
0x95: {  	s18 =	sadd.s32 s1, s16;
	s15 =	sadd.s32 $0xFA, s16  }
0x96: {  	[tilespmem:s21], [sflag:$0x3] =	stream.linear.gather [hbm4b:s18+s13], $0x7D0, $0x38;
	[tilespmem:$0x1D770] =	vst v63  }
0x97: {  	s17 =	sadd.s32 s6, s15  }
0x98: {  	[tilespmem:s31], [sflag:$0x4] =	stream.linear.gather [hbm4b:s17+s13], $0x7D0, $0x38;
	[tilespmem:$0x1D770] =	vst v63  }
0x99: {  	s7 =	sadd.s32 $0xC35FA, s7  }
0x9a: {  	[tilespmem:s0], [sflag:$0x5] =	stream.linear.gather [hbm4b:s7+s13], $0x7D0, $0x38;
	[tilespmem:$0x1D770] =	vst v63  }
0x9b: {  	s20 =	sadd.s32 s1, s15  }
0x9c: {  	[tilespmem:s22], [sflag:$0x6] =	stream.linear.gather [hbm4b:s20+s13], $0x7D0, $0x38;
	[tilespmem:$0x1D770] =	vst v63  }
0x9d: {  	_ =	swait.ge [sflag:s4], $0x7D0  }
0x9e: {  	[sflag:s4] =	ssyncset.done $0x0  }
0x9f: {  	[sflag:s4] =	ssyncadd.s32 $0xFFFFF830  }
0xa0: {  	_ =	swait.ge [sflag:s3], $0x7D0  }
0xa1: {  	[sflag:s3] =	ssyncset.done $0x0  }
0xa2: {  	[sflag:s3] =	ssyncadd.s32 $0xFFFFF830  }
0xa3: {  	_ =	swait.ge [sflag:s23], $0x7D0  }
0xa4: {  	[sflag:s23] =	ssyncset.done $0x0  }
0xa5: {  	s17 =	simm.s32 $0x0;
	[sflag:s23] =	ssyncadd.s32 $0xFFFFF830  }
0xa6: {  	v0 =	vld [tilespmem:s17+$0x19F70]  }
0xa7: {  	v1 =	vld [tilespmem:s17+$0x1A770];
	_ =	sdelay $0x6  }
0xa8: {  	v0 =	vld.idx.msk [tilespmem:v0+s28+$0x0], $0xffff  }
0xa9: {  	v1 =	vld.idx.msk [tilespmem:v1+s28+$0x0], $0xffff;
	_ =	sdelay $0x1  }
0xaa: {  	v2 =	vld [tilespmem:s17+$0x1AF70]  }
0xab: {  	v3 =	vld [tilespmem:s17+$0x19F80]  }
0xac: {  	v4 =	vld [tilespmem:s17+$0x1A780]  }
0xad: {  	v0 =	vshll.u32 v0, $0x10;
	v1 =	vand.u32 $0xFFFF0000, v1  }
0xae: {  	v0 =	vmul.f32 v1, v0;
	_ =	sdelay $0x1  }
0xaf: {  	v0 =	vmul.f32 v0, v2;
	_ =	sdelay $0x1  }
0xb0: {  	[tilespmem:s17+$0x1AF70] =	vst v0  }
0xb1: {  	v0 =	vld.idx.msk [tilespmem:v3+s28+$0x0], $0xffff  }
0xb2: {  	v1 =	vld.idx.msk [tilespmem:v4+s28+$0x0], $0xffff;
	_ =	sdelay $0x1  }
0xb3: {  	v2 =	vld [tilespmem:s17+$0x1AF80]  }
0xb4: {  	v3 =	vld [tilespmem:s17+$0x19F90]  }
0xb5: {  	v4 =	vld [tilespmem:s17+$0x1A790]  }
0xb6: {  	v0 =	vshll.u32 v0, $0x10;
	v1 =	vand.u32 $0xFFFF0000, v1  }
0xb7: {  	v0 =	vmul.f32 v1, v0;
	_ =	sdelay $0x1  }
0xb8: {  	v0 =	vmul.f32 v0, v2;
	_ =	sdelay $0x1  }
0xb9: {  	[tilespmem:s17+$0x1AF80] =	vst v0  }
0xba: {  	v0 =	vld.idx.msk [tilespmem:v3+s28+$0x0], $0xffff  }
0xbb: {  	v1 =	vld.idx.msk [tilespmem:v4+s28+$0x0], $0xffff;
	_ =	sdelay $0x1  }
0xbc: {  	v2 =	vld [tilespmem:s17+$0x1AF90]  }
0xbd: {  	v3 =	vld [tilespmem:s17+$0x19FA0]  }
0xbe: {  	v4 =	vld [tilespmem:s17+$0x1A7A0]  }
0xbf: {  	v0 =	vshll.u32 v0, $0x10;
	v1 =	vand.u32 $0xFFFF0000, v1  }
0xc0: {  	v0 =	vmul.f32 v1, v0;
	_ =	sdelay $0x1  }
0xc1: {  	v0 =	vmul.f32 v0, v2;
	_ =	sdelay $0x1  }
0xc2: {  	[tilespmem:s17+$0x1AF90] =	vst v0  }
0xc3: {  	v0 =	vld.idx.msk [tilespmem:v3+s28+$0x0], $0xffff  }
0xc4: {  	v1 =	vld.idx.msk [tilespmem:v4+s28+$0x0], $0xffff;
	_ =	sdelay $0x1  }
0xc5: {  	v2 =	vld [tilespmem:s17+$0x1AFA0]  }
0xc6: {  	v3 =	vld [tilespmem:s17+$0x19FB0]  }
0xc7: {  	v4 =	vld [tilespmem:s17+$0x1A7B0]  }
0xc8: {  	v0 =	vshll.u32 v0, $0x10;
	v1 =	vand.u32 $0xFFFF0000, v1  }
0xc9: {  	v0 =	vmul.f32 v1, v0;
	_ =	sdelay $0x1  }
0xca: {  	v0 =	vmul.f32 v0, v2;
	_ =	sdelay $0x1  }
0xcb: {  	[tilespmem:s17+$0x1AFA0] =	vst v0  }
0xcc: {  	v5 =	vld.idx.msk [tilespmem:v3+s28+$0x0], $0xffff  }
0xcd: {  	v3 =	vld.idx.msk [tilespmem:v4+s28+$0x0], $0xffff;
	_ =	sdelay $0x1  }
0xce: {  	s7 =	simm.s32 $0x50;
	v0 =	vld [tilespmem:s17+$0x1AFB0]  }
0xcf: {  	v1 =	vld [tilespmem:s7+$0x19F70]  }
0xd0: {  	s18 =	simm.s32 $0x280;
	v2 =	vld [tilespmem:s7+$0x1A770];
	v4 =	vshll.u32 v5, $0x10  }
.LBB2_11:
0xd1: {  	p0 =	sne.s32 s18, $0x1E00;
	v3 =	vand.u32 $0xFFFF0000, v3;
	s20 =	smov.u32 s18;
	s18 =	sadd.s32 $0x140, s18  }
0xd2: {  	v3 =	vmul.f32 v3, v4;
	_ =	sdelay $0x1  }
0xd3: {  	v0 =	vmul.f32 v3, v0;
	_ =	sdelay $0x1  }
0xd4: {  	[tilespmem:s17+$0x1AFB0] =	vst v0;
	s17 =	smov.u32 s7  }
0xd5: {  	v0 =	vld.idx.msk [tilespmem:v1+s28+$0x0], $0xffff  }
0xd6: {  	v1 =	vld.idx.msk [tilespmem:v2+s28+$0x0], $0xffff;
	_ =	sdelay $0x1  }
0xd7: {  	v2 =	vld [tilespmem:s17+$0x1A780]  }
0xd8: {  	v3 =	vld [tilespmem:s17+$0x1AF70]  }
0xd9: {  	v4 =	vld [tilespmem:s17+$0x19F80]  }
0xda: {  	v0 =	vshll.u32 v0, $0x10  }
0xdb: {  	v1 =	vand.u32 $0xFFFF0000, v1  }
0xdc: {  	v0 =	vmul.f32 v1, v0;
	_ =	sdelay $0x1  }
0xdd: {  	v0 =	vmul.f32 v0, v3;
	_ =	sdelay $0x1  }
0xde: {  	[tilespmem:s17+$0x1AF70] =	vst v0  }
0xdf: {  	v0 =	vld.idx.msk [tilespmem:v4+s28+$0x0], $0xffff  }
0xe0: {  	v1 =	vld.idx.msk [tilespmem:v2+s28+$0x0], $0xffff;
	_ =	sdelay $0x1  }
0xe1: {  	v2 =	vld [tilespmem:s17+$0x1AF80]  }
0xe2: {  	v3 =	vld [tilespmem:s17+$0x1A790]  }
0xe3: {  	v4 =	vld [tilespmem:s17+$0x19F90]  }
0xe4: {  	v0 =	vshll.u32 v0, $0x10  }
0xe5: {  	v1 =	vand.u32 $0xFFFF0000, v1  }
0xe6: {  	v0 =	vmul.f32 v1, v0;
	_ =	sdelay $0x1  }
0xe7: {  	v0 =	vmul.f32 v0, v2;
	_ =	sdelay $0x1  }
0xe8: {  	[tilespmem:s17+$0x1AF80] =	vst v0  }
0xe9: {  	v0 =	vld.idx.msk [tilespmem:v4+s28+$0x0], $0xffff  }
0xea: {  	v1 =	vld.idx.msk [tilespmem:v3+s28+$0x0], $0xffff  }
0xeb: {  	v2 =	vld [tilespmem:s17+$0x1AF90];
	_ =	sdelay $0x1  }
0xec: {  	v3 =	vld [tilespmem:s17+$0x1A7A0]  }
0xed: {  	v4 =	vld [tilespmem:s17+$0x19FA0]  }
0xee: {  	v0 =	vshll.u32 v0, $0x10  }
0xef: {  	v1 =	vand.u32 $0xFFFF0000, v1  }
0xf0: {  	v0 =	vmul.f32 v1, v0;
	_ =	sdelay $0x1  }
0xf1: {  	v0 =	vmul.f32 v0, v2;
	_ =	sdelay $0x1  }
0xf2: {  	[tilespmem:s17+$0x1AF90] =	vst v0;
	v0 =	vld [tilespmem:s17+$0x1AFA0]  }
0xf3: {  	v1 =	vld.idx.msk [tilespmem:v4+s28+$0x0], $0xffff  }
0xf4: {  	v2 =	vld.idx.msk [tilespmem:v3+s28+$0x0], $0xffff;
	_ =	sdelay $0x2  }
0xf5: {  	v3 =	vld [tilespmem:s17+$0x1A7B0]  }
0xf6: {  	v4 =	vld [tilespmem:s17+$0x19FB0]  }
0xf7: {  	v1 =	vshll.u32 v1, $0x10  }
0xf8: {  	v2 =	vand.u32 $0xFFFF0000, v2  }
0xf9: {  	v1 =	vmul.f32 v2, v1;
	_ =	sdelay $0x1  }
0xfa: {  	v0 =	vmul.f32 v1, v0;
	_ =	sdelay $0x1  }
0xfb: {  	[tilespmem:s17+$0x1AFA0] =	vst v0;
	v0 =	vld [tilespmem:s17+$0x1AFB0]  }
0xfc: {  	v4 =	vld.idx.msk [tilespmem:v4+s28+$0x0], $0xffff  }
0xfd: {  	v3 =	vld.idx.msk [tilespmem:v3+s28+$0x0], $0xffff  }
.Ltmp4:
0xfe: {  	(pc) =	sbr.rel @p0 .LBB2_11-.Ltmp4, $4  }
0xff: {  	_ = 	snop  }
0x100: {  	s7 =	sshra.s32 s20, $0x2  }
0x101: {  	v1 =	vld [tilespmem:s7+$0x19F70]  }
0x102: {  	v4 =	vshll.u32 v4, $0x10;
	v2 =	vld [tilespmem:s7+$0x1A770]  }
0x103: {  	_ = 	snop  }
0x104: {  	v3 =	vand.u32 $0xFFFF0000, v3  }
0x105: {  	v3 =	vmul.f32 v3, v4;
	_ =	sdelay $0x1  }
0x106: {  	v0 =	vmul.f32 v3, v0;
	_ =	sdelay $0x1  }
0x107: {  	[tilespmem:s17+$0x1AFB0] =	vst v0  }
0x108: {  	v0 =	vld.idx.msk [tilespmem:v1+s28+$0x0], $0xffff  }
0x109: {  	v1 =	vld.idx.msk [tilespmem:v2+s28+$0x0], $0xffff;
	_ =	sdelay $0x1  }
0x10a: {  	v2 =	vld [tilespmem:s7+$0x1AF70]  }
0x10b: {  	v3 =	vld [tilespmem:s7+$0x19F80]  }
0x10c: {  	v4 =	vld [tilespmem:s7+$0x1A780]  }
0x10d: {  	v0 =	vshll.u32 v0, $0x10;
	v1 =	vand.u32 $0xFFFF0000, v1  }
0x10e: {  	v0 =	vmul.f32 v1, v0;
	_ =	sdelay $0x1  }
0x10f: {  	v0 =	vmul.f32 v0, v2;
	_ =	sdelay $0x1  }
0x110: {  	[tilespmem:s7+$0x1AF70] =	vst v0  }
0x111: {  	v0 =	vld.idx.msk [tilespmem:v3+s28+$0x0], $0xffff  }
0x112: {  	v1 =	vld.idx.msk [tilespmem:v4+s28+$0x0], $0xffff;
	_ =	sdelay $0x1  }
0x113: {  	v2 =	vld [tilespmem:s7+$0x1AF80]  }
0x114: {  	v3 =	vld [tilespmem:s7+$0x19F90]  }
0x115: {  	v4 =	vld [tilespmem:s7+$0x1A790]  }
0x116: {  	v0 =	vshll.u32 v0, $0x10;
	v1 =	vand.u32 $0xFFFF0000, v1  }
0x117: {  	v0 =	vmul.f32 v1, v0;
	_ =	sdelay $0x1  }
0x118: {  	v0 =	vmul.f32 v0, v2;
	_ =	sdelay $0x1  }
0x119: {  	[tilespmem:s7+$0x1AF80] =	vst v0  }
0x11a: {  	v0 =	vld.idx.msk [tilespmem:v3+s28+$0x0], $0xffff  }
0x11b: {  	v1 =	vld.idx.msk [tilespmem:v4+s28+$0x0], $0xffff;
	_ =	sdelay $0x1  }
0x11c: {  	v2 =	vld [tilespmem:s7+$0x1AF90]  }
0x11d: {  	v3 =	vld [tilespmem:s7+$0x19FA0]  }
0x11e: {  	v4 =	vld [tilespmem:s7+$0x1A7A0]  }
0x11f: {  	v0 =	vshll.u32 v0, $0x10;
	v1 =	vand.u32 $0xFFFF0000, v1  }
0x120: {  	v0 =	vmul.f32 v1, v0;
	_ =	sdelay $0x1  }
0x121: {  	v0 =	vmul.f32 v0, v2;
	_ =	sdelay $0x1  }
0x122: {  	[tilespmem:s7+$0x1AF90] =	vst v0  }
0x123: {  	v0 =	vld.idx.msk [tilespmem:v3+s28+$0x0], $0xffff  }
0x124: {  	v1 =	vld.idx.msk [tilespmem:v4+s28+$0x0], $0xffff;
	_ =	sdelay $0x1  }
0x125: {  	v2 =	vld [tilespmem:s7+$0x1AFA0]  }
0x126: {  	v3 =	vld [tilespmem:s7+$0x19FB0]  }
0x127: {  	v4 =	vld [tilespmem:s7+$0x1A7B0]  }
0x128: {  	v0 =	vshll.u32 v0, $0x10;
	v1 =	vand.u32 $0xFFFF0000, v1  }
0x129: {  	v0 =	vmul.f32 v1, v0;
	_ =	sdelay $0x1  }
0x12a: {  	v0 =	vmul.f32 v0, v2;
	_ =	sdelay $0x1  }
0x12b: {  	[tilespmem:s7+$0x1AFA0] =	vst v0  }
0x12c: {  	v0 =	vld.idx.msk [tilespmem:v3+s28+$0x0], $0xffff  }
0x12d: {  	v1 =	vld.idx.msk [tilespmem:v4+s28+$0x0], $0xffff;
	_ =	sdelay $0x2  }
0x12e: {  	v2 =	vld [tilespmem:s7+$0x1AFB0];
	_ =	sdelay $0x1  }
0x12f: {  	v0 =	vshll.u32 v0, $0x10;
	v1 =	vand.u32 $0xFFFF0000, v1  }
0x130: {  	v0 =	vmul.f32 v1, v0;
	_ =	sdelay $0x1  }
0x131: {  	v0 =	vmul.f32 v0, v2;
	_ =	sdelay $0x1  }
0x132: {  	s18 =	sadd.s32 s2, s16;
	s20 =	simm.s32 $0x0;
	[tilespmem:s7+$0x1AFB0] =	vst v0  }
0x133: {  	[hbm4b:s18+s20] =	stream.linear.scatter [tilespmem:s21], [sflag:$0x7], $0x7D0, $0x38;
	[tilespmem:$0x1D770] =	vst v63  }
0x134: {  	_ =	swait.ge [sflag:s8], $0x7D0  }
0x135: {  	[sflag:s8] =	ssyncset.done $0x0  }
0x136: {  	[sflag:s8] =	ssyncadd.s32 $0xFFFFF830  }
0x137: {  	_ =	swait.ge [sflag:s9], $0x7D0  }
0x138: {  	[sflag:s9] =	ssyncset.done $0x0  }
0x139: {  	[sflag:s9] =	ssyncadd.s32 $0xFFFFF830  }
0x13a: {  	_ =	swait.ge [sflag:s24], $0x7D0  }
0x13b: {  	[sflag:s24] =	ssyncset.done $0x0  }
0x13c: {  	s16 =	simm.s32 $0x0;
	[sflag:s24] =	ssyncadd.s32 $0xFFFFF830  }
0x13d: {  	v0 =	vld [tilespmem:s16+$0x1B770]  }
0x13e: {  	v1 =	vld [tilespmem:s16+$0x1BF70];
	_ =	sdelay $0x6  }
0x13f: {  	v0 =	vld.idx.msk [tilespmem:v0+s28+$0x0], $0xffff  }
0x140: {  	v1 =	vld.idx.msk [tilespmem:v1+s28+$0x0], $0xffff;
	_ =	sdelay $0x1  }
0x141: {  	v2 =	vld [tilespmem:s16+$0x1C770]  }
0x142: {  	v3 =	vld [tilespmem:s16+$0x1B780]  }
0x143: {  	v4 =	vld [tilespmem:s16+$0x1BF80]  }
0x144: {  	v0 =	vshll.u32 v0, $0x10;
	v1 =	vand.u32 $0xFFFF0000, v1  }
0x145: {  	v0 =	vmul.f32 v1, v0;
	_ =	sdelay $0x1  }
0x146: {  	v0 =	vmul.f32 v0, v2;
	_ =	sdelay $0x1  }
0x147: {  	[tilespmem:s16+$0x1C770] =	vst v0  }
0x148: {  	v0 =	vld.idx.msk [tilespmem:v3+s28+$0x0], $0xffff  }
0x149: {  	v1 =	vld.idx.msk [tilespmem:v4+s28+$0x0], $0xffff;
	_ =	sdelay $0x1  }
0x14a: {  	v2 =	vld [tilespmem:s16+$0x1C780]  }
0x14b: {  	v3 =	vld [tilespmem:s16+$0x1B790]  }
0x14c: {  	v4 =	vld [tilespmem:s16+$0x1BF90]  }
0x14d: {  	v0 =	vshll.u32 v0, $0x10;
	v1 =	vand.u32 $0xFFFF0000, v1  }
0x14e: {  	v0 =	vmul.f32 v1, v0;
	_ =	sdelay $0x1  }
0x14f: {  	v0 =	vmul.f32 v0, v2;
	_ =	sdelay $0x1  }
0x150: {  	[tilespmem:s16+$0x1C780] =	vst v0  }
0x151: {  	v0 =	vld.idx.msk [tilespmem:v3+s28+$0x0], $0xffff  }
0x152: {  	v1 =	vld.idx.msk [tilespmem:v4+s28+$0x0], $0xffff;
	_ =	sdelay $0x1  }
0x153: {  	v2 =	vld [tilespmem:s16+$0x1C790]  }
0x154: {  	v3 =	vld [tilespmem:s16+$0x1B7A0]  }
0x155: {  	v4 =	vld [tilespmem:s16+$0x1BFA0]  }
0x156: {  	v0 =	vshll.u32 v0, $0x10;
	v1 =	vand.u32 $0xFFFF0000, v1  }
0x157: {  	v0 =	vmul.f32 v1, v0;
	_ =	sdelay $0x1  }
0x158: {  	v0 =	vmul.f32 v0, v2;
	_ =	sdelay $0x1  }
0x159: {  	[tilespmem:s16+$0x1C790] =	vst v0  }
0x15a: {  	v0 =	vld.idx.msk [tilespmem:v3+s28+$0x0], $0xffff  }
0x15b: {  	v1 =	vld.idx.msk [tilespmem:v4+s28+$0x0], $0xffff;
	_ =	sdelay $0x1  }
0x15c: {  	v2 =	vld [tilespmem:s16+$0x1C7A0]  }
0x15d: {  	v3 =	vld [tilespmem:s16+$0x1B7B0]  }
0x15e: {  	v4 =	vld [tilespmem:s16+$0x1BFB0]  }
0x15f: {  	v0 =	vshll.u32 v0, $0x10;
	v1 =	vand.u32 $0xFFFF0000, v1  }
0x160: {  	v0 =	vmul.f32 v1, v0;
	_ =	sdelay $0x1  }
0x161: {  	v0 =	vmul.f32 v0, v2;
	_ =	sdelay $0x1  }
0x162: {  	[tilespmem:s16+$0x1C7A0] =	vst v0  }
0x163: {  	v5 =	vld.idx.msk [tilespmem:v3+s28+$0x0], $0xffff  }
0x164: {  	v3 =	vld.idx.msk [tilespmem:v4+s28+$0x0], $0xffff;
	_ =	sdelay $0x1  }
0x165: {  	s7 =	simm.s32 $0x50;
	v0 =	vld [tilespmem:s16+$0x1C7B0]  }
0x166: {  	v1 =	vld [tilespmem:s7+$0x1B770]  }
0x167: {  	s17 =	simm.s32 $0x280;
	v2 =	vld [tilespmem:s7+$0x1BF70];
	v4 =	vshll.u32 v5, $0x10  }
.LBB2_13:
0x168: {  	p0 =	sne.s32 s17, $0x1E00;
	v3 =	vand.u32 $0xFFFF0000, v3;
	s18 =	smov.u32 s17;
	s17 =	sadd.s32 $0x140, s17  }
0x169: {  	v3 =	vmul.f32 v3, v4;
	_ =	sdelay $0x1  }
0x16a: {  	v0 =	vmul.f32 v3, v0;
	_ =	sdelay $0x1  }
0x16b: {  	[tilespmem:s16+$0x1C7B0] =	vst v0;
	s16 =	smov.u32 s7  }
0x16c: {  	v0 =	vld.idx.msk [tilespmem:v1+s28+$0x0], $0xffff  }
0x16d: {  	v1 =	vld.idx.msk [tilespmem:v2+s28+$0x0], $0xffff;
	_ =	sdelay $0x1  }
0x16e: {  	v2 =	vld [tilespmem:s16+$0x1BF80]  }
0x16f: {  	v3 =	vld [tilespmem:s16+$0x1C770]  }
0x170: {  	v4 =	vld [tilespmem:s16+$0x1B780]  }
0x171: {  	v0 =	vshll.u32 v0, $0x10  }
0x172: {  	v1 =	vand.u32 $0xFFFF0000, v1  }
0x173: {  	v0 =	vmul.f32 v1, v0;
	_ =	sdelay $0x1  }
0x174: {  	v0 =	vmul.f32 v0, v3;
	_ =	sdelay $0x1  }
0x175: {  	[tilespmem:s16+$0x1C770] =	vst v0  }
0x176: {  	v0 =	vld.idx.msk [tilespmem:v4+s28+$0x0], $0xffff  }
0x177: {  	v1 =	vld.idx.msk [tilespmem:v2+s28+$0x0], $0xffff;
	_ =	sdelay $0x1  }
0x178: {  	v2 =	vld [tilespmem:s16+$0x1C780]  }
0x179: {  	v3 =	vld [tilespmem:s16+$0x1BF90]  }
0x17a: {  	v4 =	vld [tilespmem:s16+$0x1B790]  }
0x17b: {  	v0 =	vshll.u32 v0, $0x10  }
0x17c: {  	v1 =	vand.u32 $0xFFFF0000, v1  }
0x17d: {  	v0 =	vmul.f32 v1, v0;
	_ =	sdelay $0x1  }
0x17e: {  	v0 =	vmul.f32 v0, v2;
	_ =	sdelay $0x1  }
0x17f: {  	[tilespmem:s16+$0x1C780] =	vst v0  }
0x180: {  	v0 =	vld.idx.msk [tilespmem:v4+s28+$0x0], $0xffff  }
0x181: {  	v1 =	vld.idx.msk [tilespmem:v3+s28+$0x0], $0xffff  }
0x182: {  	v2 =	vld [tilespmem:s16+$0x1C790];
	_ =	sdelay $0x1  }
0x183: {  	v3 =	vld [tilespmem:s16+$0x1BFA0]  }
0x184: {  	v4 =	vld [tilespmem:s16+$0x1B7A0]  }
0x185: {  	v0 =	vshll.u32 v0, $0x10  }
0x186: {  	v1 =	vand.u32 $0xFFFF0000, v1  }
0x187: {  	v0 =	vmul.f32 v1, v0;
	_ =	sdelay $0x1  }
0x188: {  	v0 =	vmul.f32 v0, v2;
	_ =	sdelay $0x1  }
0x189: {  	[tilespmem:s16+$0x1C790] =	vst v0;
	v0 =	vld [tilespmem:s16+$0x1C7A0]  }
0x18a: {  	v1 =	vld.idx.msk [tilespmem:v4+s28+$0x0], $0xffff  }
0x18b: {  	v2 =	vld.idx.msk [tilespmem:v3+s28+$0x0], $0xffff;
	_ =	sdelay $0x2  }
0x18c: {  	v3 =	vld [tilespmem:s16+$0x1BFB0]  }
0x18d: {  	v4 =	vld [tilespmem:s16+$0x1B7B0]  }
0x18e: {  	v1 =	vshll.u32 v1, $0x10  }
0x18f: {  	v2 =	vand.u32 $0xFFFF0000, v2  }
0x190: {  	v1 =	vmul.f32 v2, v1;
	_ =	sdelay $0x1  }
0x191: {  	v0 =	vmul.f32 v1, v0;
	_ =	sdelay $0x1  }
0x192: {  	[tilespmem:s16+$0x1C7A0] =	vst v0;
	v0 =	vld [tilespmem:s16+$0x1C7B0]  }
0x193: {  	v4 =	vld.idx.msk [tilespmem:v4+s28+$0x0], $0xffff  }
0x194: {  	v3 =	vld.idx.msk [tilespmem:v3+s28+$0x0], $0xffff  }
.Ltmp5:
0x195: {  	(pc) =	sbr.rel @p0 .LBB2_13-.Ltmp5, $4  }
0x196: {  	_ = 	snop  }
0x197: {  	s7 =	sshra.s32 s18, $0x2  }
0x198: {  	v1 =	vld [tilespmem:s7+$0x1B770]  }
0x199: {  	v4 =	vshll.u32 v4, $0x10;
	v2 =	vld [tilespmem:s7+$0x1BF70]  }
0x19a: {  	_ = 	snop  }
0x19b: {  	v3 =	vand.u32 $0xFFFF0000, v3  }
0x19c: {  	v3 =	vmul.f32 v3, v4;
	_ =	sdelay $0x1  }
0x19d: {  	v0 =	vmul.f32 v3, v0;
	_ =	sdelay $0x1  }
0x19e: {  	[tilespmem:s16+$0x1C7B0] =	vst v0  }
0x19f: {  	v0 =	vld.idx.msk [tilespmem:v1+s28+$0x0], $0xffff  }
0x1a0: {  	v46 =	vld.idx.msk [tilespmem:v2+s28+$0x0], $0xffff;
	_ =	sdelay $0x1  }
0x1a1: {  	v47 =	vld [tilespmem:s7+$0x1C770]  }
0x1a2: {  	v48 =	vld [tilespmem:s7+$0x1B780]  }
0x1a3: {  	v49 =	vld [tilespmem:s7+$0x1BF80]  }
0x1a4: {  	v0 =	vshll.u32 v0, $0x10;
	v1 =	vand.u32 $0xFFFF0000, v46  }
0x1a5: {  	v0 =	vmul.f32 v1, v0;
	_ =	sdelay $0x1  }
0x1a6: {  	v0 =	vmul.f32 v0, v47;
	_ =	sdelay $0x1  }
0x1a7: {  	[tilespmem:s7+$0x1C770] =	vst v0  }
0x1a8: {  	v0 =	vld.idx.msk [tilespmem:v48+s28+$0x0], $0xffff  }
0x1a9: {  	v50 =	vld.idx.msk [tilespmem:v49+s28+$0x0], $0xffff;
	_ =	sdelay $0x1  }
0x1aa: {  	v51 =	vld [tilespmem:s7+$0x1C780]  }
0x1ab: {  	v52 =	vld [tilespmem:s7+$0x1B790]  }
0x1ac: {  	v53 =	vld [tilespmem:s7+$0x1BF90]  }
0x1ad: {  	v0 =	vshll.u32 v0, $0x10;
	v1 =	vand.u32 $0xFFFF0000, v50  }
0x1ae: {  	v0 =	vmul.f32 v1, v0;
	_ =	sdelay $0x1  }
0x1af: {  	v0 =	vmul.f32 v0, v51;
	_ =	sdelay $0x1  }
0x1b0: {  	[tilespmem:s7+$0x1C780] =	vst v0  }
0x1b1: {  	v0 =	vld.idx.msk [tilespmem:v52+s28+$0x0], $0xffff  }
0x1b2: {  	v54 =	vld.idx.msk [tilespmem:v53+s28+$0x0], $0xffff;
	_ =	sdelay $0x1  }
0x1b3: {  	v55 =	vld [tilespmem:s7+$0x1C790]  }
0x1b4: {  	v56 =	vld [tilespmem:s7+$0x1B7A0]  }
0x1b5: {  	v57 =	vld [tilespmem:s7+$0x1BFA0]  }
0x1b6: {  	v0 =	vshll.u32 v0, $0x10;
	v1 =	vand.u32 $0xFFFF0000, v54  }
0x1b7: {  	v0 =	vmul.f32 v1, v0;
	_ =	sdelay $0x1  }
0x1b8: {  	v0 =	vmul.f32 v0, v55;
	_ =	sdelay $0x1  }
0x1b9: {  	[tilespmem:s7+$0x1C790] =	vst v0  }
0x1ba: {  	v0 =	vld.idx.msk [tilespmem:v56+s28+$0x0], $0xffff  }
0x1bb: {  	v58 =	vld.idx.msk [tilespmem:v57+s28+$0x0], $0xffff;
	_ =	sdelay $0x1  }
0x1bc: {  	v59 =	vld [tilespmem:s7+$0x1C7A0]  }
0x1bd: {  	v60 =	vld [tilespmem:s7+$0x1B7B0]  }
0x1be: {  	v61 =	vld [tilespmem:s7+$0x1BFB0]  }
0x1bf: {  	v0 =	vshll.u32 v0, $0x10;
	v1 =	vand.u32 $0xFFFF0000, v58  }
0x1c0: {  	v0 =	vmul.f32 v1, v0;
	_ =	sdelay $0x1  }
0x1c1: {  	v0 =	vmul.f32 v0, v59;
	_ =	sdelay $0x1  }
0x1c2: {  	[tilespmem:s7+$0x1C7A0] =	vst v0  }
0x1c3: {  	v0 =	vld.idx.msk [tilespmem:v60+s28+$0x0], $0xffff  }
0x1c4: {  	v62 =	vld.idx.msk [tilespmem:v61+s28+$0x0], $0xffff;
	_ =	sdelay $0x2  }
0x1c5: {  	v63 =	vld [tilespmem:s7+$0x1C7B0];
	_ =	sdelay $0x1  }
0x1c6: {  	v0 =	vshll.u32 v0, $0x10;
	v1 =	vand.u32 $0xFFFF0000, v62  }
0x1c7: {  	v0 =	vmul.f32 v1, v0;
	_ =	sdelay $0x1  }
0x1c8: {  	v0 =	vmul.f32 v0, v63;
	_ =	sdelay $0x1  }
0x1c9: {  	s20 =	sadd.s32 s2, s15;
	s14 =	sadd.s32 $0x1, s14;
	[tilespmem:s7+$0x1C7B0] =	vst v0  }
0x1ca: {  	[hbm4b:s20+s5] =	stream.linear.scatter [tilespmem:s22], [sflag:$0x8], $0x7D0, $0x38;
	[tilespmem:$0x1D770] =	vst v63  }
0x1cb: {  	p0 =	sne.s32 s14, $0x32;
	_ =	swait.ge [sflag:s10], $0x7D0  }
.Ltmp6:
0x1cc: {  	[sflag:s10] =	ssyncset.done $0x0;
	(pc) =	sbr.rel @p0 .LBB2_10-.Ltmp6, $4  }
0x1cd: {  	[sflag:s10] =	ssyncadd.s32 $0xFFFFF830  }
0x1ce: {  	_ =	swait.ge [sflag:s11], $0x7D0  }
0x1cf: {  	[sflag:s11] =	ssyncset.done $0x0  }
0x1d0: {  	[sflag:s11] =	ssyncadd.s32 $0xFFFFF830  }
0x1d1: {  	s12 =	sadd.s32 $0x1, s12;
	s7 =	rddreg [dreg:$0x11]  }
0x1d2: {  	p0 =	sne.s32 s12, s7  }
.Ltmp7:
0x1d3: {  	_ = 	snop;
	(pc) =	sbr.rel @p0 .LBB2_1-.Ltmp7, $1  }
0x1d4: {  	_ =	sdelay $0x3  }
0x1d5: {  	_ =	sfence.sel $0x180000  }
0x1d6: {  	[bflag:$0x0] =	sbarrier.arrive $0xFFFF  }
0x1d7: {  	_ =	strace $0x9000004D  }
0x1d8: {  	s0 =	stileid.u32;
	[bflag:$0x2] =	sbarrier.arrive $0xFFFF  }
0x1d9: {  	p0 =	sne.s32 s0, $0x0;
	s0 =	rddreg [dreg:$0x4]  }
0x1da: {  	s0 =	sadd.s32 @!p0 $0x100000, s0  }
0x1db: {  	[sflag:s0] =	ssyncadd.tile.s32 @!p0 $0x1;
	_ =	shalt  }
.Lfunc_end2:
_tile_overlayer_lowered:
.L_overlay_start_2:
0x1dc: {  	(tag) =	ssettag $0x2  }
0x1dd: {  	s0 =	rddreg [dreg:$0x0];
	s2 =	stileid.u32  }
0x1de: {  	s1 =	rddreg [dreg:$0x1];
	p0 =	sne.s32 s2, $0x0  }
0x1df: {  	s3 =	rddreg [dreg:$0x2];
	[bflag:$0x3] =	sbarrier.arrive $0xFFFF;
	s2 =	simm.s32 @!p0 $0x1C09  }
0x1e0: {  	[timem:s3], [sflag:s2] =	dma.local @!p0 [hbm:s0], s1  }
0x1e1: {  	s0 =	simm.s32 @!p0 $0x9  }
0x1e2: {  	_ =	swait.ge @!p0 [sflag:s0], s1  }
0x1e3: {  	s1 =	ssub.s32 @!p0 $0x0, s1;
	[sflag:s0] =	ssyncset.done @!p0 $0x0  }
0x1e4: {  	[sflag:s0] =	ssyncadd.s32 @!p0 s1  }
0x1e5: {  	[bflag:$0x3] =	sbarrier.arrive $0xFFFF  }
0x1e6: {  	_ =	shalt  }

// kernel: sparse-core-data-format-call.cloned.1.call-start
scs
called_computation_lowered:
.L_overlay_start_0:
0x0: {  	s2 =	sld [smem:$0x3FD9]  }
0x1: {  	s3 =	sld [smem:$0x3FFE];
	_ =	sdelay $0x1  }
0x2: {  	s1 =	srdreg.scid  }
0x3: {  	s0 =	sand.u32 $0x1, s1  }
0x4: {  	s18 =	sshll.u32 s0, $0xA;
	s2 =	sadd.s32 s3, s2  }
0x5: {  	s2 =	sadd.s32 s2, s18  }
0x6: {  	[smem:$0x3FC6] =	sst s2  }
0x7: {  	_ = 	snop  }
0x8: {  	s2 =	sld [smem:$0x3FC8];
	(tm) =	ssettm $0x1  }
0x9: {  	s19 =	sld [smem:$0x3FFB];
	_ =	sdelay $0x3  }
0xa: {  	_ =	strace s19  }
0xb: {  	s3 =	sld [smem:$0x3FFC];
	_ =	sdelay $0x3  }
0xc: {  	_ =	strace s3  }
0xd: {  	s3 =	sld [smem:$0x3FFD];
	_ =	sdelay $0x3  }
0xe: {  	_ =	strace s3  }
0xf: {  	_ =	strace $0x8FFFFFFF  }
0x10: {  	s20 =	sld [smem:$0x3FDB];
	_ =	sdelay $0x1  }
0x11: {  	s4 =	simm.s32 $_scs_section_size  }
0x12: {  	s5 =	simm.s32 $_size__tile_overlayer_lowered;
	s6 =	simm.s32 $_tile_overlayer_lowered  }
0x13: {  	s23 =	simm.s32 $0x1BFF;
	s22 =	sshll.u32 s6, $0x1;
	s3 =	sadd.s32 s4, s20  }
0x14: {  	s7 =	simm.s32 $0x0;
	s21 =	sshll.u32 s5, $0x1;
	s5 =	sadd.s32 s22, s3  }
0x15: {  	[timem:s7], [sflag:s23] =	dma.local [hbm:s5], s21  }
0x16: {  	_ =	swait.ge [sflag:s23], s21  }
0x17: {  	s4 =	ssub.s32 $0x0, s21;
	[sflag:s23] =	ssyncset.done $0x0  }
0x18: {  	[sflag:s23] =	ssyncadd.s32 s4;
	_ =	sdelay $0x1  }
0x19: {  	s24 =	simm.s32 $0x1B8B  }
0x1a: {  	_ =	swait.ge [sflag:s24], $0x1  }
0x1b: {  	[sflag:s24] =	ssyncset.done $0x0  }
0x1c: {  	s26 =	simm.s32 $0x1B8E;
	s25 =	sld [smem:$0x3FFE];
	[sflag:s24] =	ssyncadd.s32 $0xFFFFFFFF  }
0x1d: {  	s27 =	simm.s32 $execute0_lowered;
	[smem:$0x3FD2] =	sst s26  }
0x1e: {  	s5 =	sshll.u32 s27, $0x1;
	_ =	strace $0x80000046;
	[dreg:$0x1] =	wrdreg $0xFFFFFFFF  }
0x1f: {  	s28 =	simm.s32 $_size_execute0_lowered;
	s3 =	sadd.s32 s3, s5;
	[dreg:$0x0] =	wrdreg $0x0  }
0x20: {  	s5 =	sshll.u32 s28, $0x1;
	[dreg:$0x2] =	wrdreg s3  }
0x21: {  	[dreg:$0x3] =	wrdreg s5  }
0x22: {  	[dreg:$0x4] =	wrdreg $0xC0  }
0x23: {  	_ =	task [dreg:s7], $0x5FFFF  }
0x24: {  	[dreg:$0x1] =	wrdreg $0xFFFFFFFF  }
0x25: {  	[dreg:$0x0] =	wrdreg $0x60  }
0x26: {  	[dreg:$0x2] =	wrdreg s2  }
0x27: {  	[dreg:$0x3] =	wrdreg s25  }
0x28: {  	[dreg:$0x4] =	wrdreg $0x9  }
0x29: {  	_ =	task.clear_ibuf [dreg:s7], $0x5FFFF;
	_ =	strace $0x90000046  }
0x2a: {  	s29 =	simm.s32 $0x9;
	_ =	strace $0x80000048  }
0x2b: {  	_ =	swait.ge [sflag:s29], $0x1  }
0x2c: {  	[sflag:s29] =	ssyncadd.s32 $0xFFFFFFFF  }
0x2d: {  	_ =	strace $0x90000048  }
0x2e: {  	_ =	sfence  }
0x2f: {  	s30 =	sld [smem:$0x0];
	_ =	sdelay $0x2  }
0x30: {  	s31 =	sshll.u32 s1, $0xD;
	s1 =	sshrl.u32 s1, $0x2  }
0x31: {  	s3 =	sand.u32 $0x4000, s31;
	s1 =	sadd.s32 s1, s30  }
0x32: {  	s0 =	sor.u32 s3, s0;
	s1 =	sshll.u32 s1, $0x11  }
0x33: {  	s0 =	sor.u32 s1, s0  }
0x34: {  	s0 =	sadd.s32 $0x8F2B, s0  }
0x35: {  	[sflag:s0] =	ssyncadd.remote.s32 $0x1  }
0x36: {  	_ =	sfence.sel $0xFFFF  }
0x37: {  	[dreg:$0x0] =	wrdreg $0xFFFFFFFF;
	(pc) =	sbr.abs _section_cstart, $3  }
0x38: {  	[dreg:$0x1] =	wrdreg $0xFFFFFFFF  }
0x39: {  	_ =	task.clear_ibuf [dreg:s7], $0x2FFFF;
	_ =	strace $0x9FFFFFFF  }
0x3a: {  	(tm) =	ssettm $0x7FFFFFFF  }
0x3b: {  	_ =	shalt  }
tec
execute0_lowered:
.L_overlay_start_1:
0x0: {  	(tag) =	ssettag $0x1  }
0x1: {  	s0 =	stileid.u32;
	s7 =	rddreg [dreg:$0x0]  }
0x2: {  	s1 =	srdreg.scid;
	s4 =	rddreg [dreg:$0x1]  }
0x3: {  	s30 =	simm.s32 $0x2;
	s10 =	simm.s32 $0x0;
	s14 =	simm.s32 $0x0  }
0x4: {  	s15 =	simm.s32 $0x0;
	s11 =	simm.s32 $0x0;
	s13 =	simm.s32 $0x0  }
0x5: {  	s2 =	sand.u32 $0x1, s1;
	s3 =	sshll.u32 s0, $0x7;
	s1 =	rddreg [dreg:$0x2]  }
0x6: {  	_ =	strace $0x80000047;
	s5 =	ssub.s32 $0xC300, s3;
	s6 =	ssub.s32 $0x2, s2  }
.Ltmp0:
0x7: {  	s5 =	sshrl.u32 s5, $0xB;
	s8 =	sshrl.u32 s6, $0x1;
	(pc) =	sbr.rel .LBB1_1-.Ltmp0, $4  }
0x8: {  	s4 =	sadd.s32 $0xC00, s4;
	s9 =	sadd.s32 $0x1, s5;
	s6 =	ssub.s32 s6, s8  }
0x9: {  	s31 =	sshll.u32 s2, $0x4;
	s5 =	simm.s32 $0x1;
	s6 =	smul.u32 s9, s6  }
0xa: {  	s12 =	smov.u32 s3;
	s7 =	sadd.s32 s7, s31;
	[sflag:s5] =	ssyncpa.u1 $0x0  }
0xb: {  	s9 =	simm.s32 $0x0;
	[sflag:s30] =	ssyncpa.u1 $0x0;
	s8 =	sadd.s32 $0x1, s6  }
.LBB1_4:
0xc: {  	s21 =	simm.s32 $0x0  }
.LBB1_8:
0xd: {  	_ =	sdelay $0x3  }
0xe: {  	v6 =	vld [tilespmem:s18+$0xFFFFFFC0];
	[tilespmem:v0+s20+$0x30 ss:$0x1] =	vst.idx.msk @p0 $0xffff, v2  }
0xf: {  	v58 =	vld [tilespmem:s18+$0xFFFFFFD0];
	[tilespmem:v0+s20+$0x40 ss:$0x1] =	vst.idx.msk @p0 $0xffff, v3;
	s21 =	sadd.s32 @p0 $0x80, s21  }
0x10: {  	v59 =	vld [tilespmem:s18+$0xFFFFFFE0];
	[tilespmem:v0+s20+$0x50 ss:$0x1] =	vst.idx.msk @p0 $0xffff, v5;
	s19 =	smov.u32 @p0 s21  }
0x11: {  	v60 =	vld [tilespmem:s18+$0xFFFFFFF0];
	[tilespmem:v0+s20+$0x60 ss:$0x1] =	vst.idx.msk @p0 $0xffff, v4;
	s19 =	sand.u32 $0x3F80, s19  }
0x12: {  	v61 =	vld [tilespmem:s18+$0x0];
	[tilespmem:v0+s19+$0x70 ss:$0x1] =	vst.idx.msk $0xffff, v1  }
0x13: {  	v62 =	vld [tilespmem:s18+$0x10];
	[tilespmem:v0+s19+$0x0 ss:$0x1] =	vst.idx.msk $0xffff, v6  }
0x14: {  	v63 =	vld [tilespmem:s18+$0x20];
	[tilespmem:v0+s19+$0x10 ss:$0x1] =	vst.idx.msk $0xffff, v58  }
0x15: {  	[tilespmem:v0+s19+$0x20 ss:$0x1] =	vst.idx.msk $0xffff, v59  }
0x16: {  	[tilespmem:v0+s19+$0x30 ss:$0x1] =	vst.idx.msk $0xffff, v60  }
0x17: {  	[tilespmem:v0+s19+$0x40 ss:$0x1] =	vst.idx.msk $0xffff, v61  }
0x18: {  	[tilespmem:v0+s19+$0x50 ss:$0x1] =	vst.idx.msk $0xffff, v62  }
0x19: {  	[tilespmem:v0+s19+$0x60 ss:$0x1] =	vst.idx.msk $0xffff, v63  }
.LBB1_9:
0x1a: {  	s18 =	sand.u32 $0x1FFFFFF, s11  }
0x1b: {  	s19 =	smulhi.u32 $0x14F8B59, s18;
	_ =	sdelay $0x1  }
0x1c: {  	s19 =	sshrl.u32 s19, $0x8  }
0x1d: {  	s19 =	smul.u32 $0xC350, s19  }
0x1e: {  	s15 =	smul.u32 $0xC3500, s15  }
0x1f: {  	s18 =	ssub.s32 s18, s19  }
0x20: {  	s15 =	sadd.s32 s4, s15;
	s18 =	sshll.u32 s18, $0x4  }
0x21: {  	s15 =	sadd.s32 s18, s15  }
0x22: {  	[hbm4b:s15+s9] =	stream.linear.scatter [tilespmem:s17], [sflag:$0x2], s16, $0x38;
	[tilespmem:$0x10000] =	vst v63  }
.LBB1_10:
0x23: {  	p0 =	slt.u32 s13, $0x2  }
0x24: {  	p1 =	sgt.s32 @!p0 s14, $0xC2D0  }
0x25: {  	s15 =	smov.u32 s14;
	s16 =	sshra.s32 @!p0 s14, $0x1F;
	p1 =	por !p1, p0  }
0x26: {  	s14 =	sand.u32 @!p0 s16, s14;
	s15 =	simm.s32 @p1 $0xC2D0  }
0x27: {  	s14 =	ssub.s32 @!p0 s15, s14  }
0x28: {  	s14 =	sadd.s32 @!p0 $0xFFFF3D30, s14  }
0x29: {  	s15 =	sshll.u32 @!p0 s14, $0x7  }
0x2a: {  	p1 =	sgt.s32 @!p0 s14, $0x7F;
	s14 =	ssub.s32 @!p0 $0x4000, s15  }
0x2b: {  	s16 =	sadd.s32 $0x800, s12;
	p1 =	por !p1, p0;
	s14 =	sand.u32 @!p0 $0x3FFFFF80, s14  }
0x2c: {  	s14 =	simm.s32 @!p1 $0x0;
	p1 =	sgt.s32 s16, $0xC34F  }
0x2d: {  	s16 =	smov.u32 @p1 s3;
	p1 =	sne.s32 s13, s8  }
.Ltmp1:
0x2e: {  	_ = 	snop;
	(pc) =	sbr.rel @!p1 .LBB1_11-.Ltmp1, $4  }
0x2f: {  	s10 =	sadd.s32 $0x4000, s10;
	s15 =	simm.s32 @!p0 $0x2  }
0x30: {  	_ =	swait.ge @!p0 [sflag:s15], s14;
	s17 =	ssub.s32 @!p0 $0x0, s14;
	s14 =	smov.u32 s11  }
0x31: {  	s13 =	sadd.s32 $0x1, s13;
	s11 =	smov.u32 s12;
	[sflag:s15] =	ssyncset.done @!p0 $0x0  }
0x32: {  	s12 =	smov.u32 s16;
	[sflag:s15] =	ssyncadd.s32 @!p0 s17;
	s15 =	smov.u32 s2  }
.LBB1_1:
0x33: {  	p0 =	sge.u32 s13, s6  }
0x34: {  	p1 =	sgt.s32 @!p0 s12, $0xC2D0  }
0x35: {  	s16 =	smov.u32 s12;
	s17 =	sshra.s32 @!p0 s12, $0x1F;
	p1 =	por !p1, p0  }
0x36: {  	s17 =	sand.u32 @!p0 s17, s12;
	s16 =	simm.s32 @p1 $0xC2D0  }
0x37: {  	s16 =	ssub.s32 @!p0 s16, s17  }
0x38: {  	s31 =	sadd.s32 $0xFFFFFFFF, s13;
	s18 =	sxor.u32 @!p0 $0xFFFFFFFF, s13;
	s16 =	sadd.s32 @!p0 $0xFFFF3D30, s16  }
0x39: {  	s19 =	simm.s32 @!p0 $0x80;
	s20 =	simm.s32 @!p0 $0x100;
	s17 =	sshll.u32 @!p0 s16, $0x7  }
0x3a: {  	p1 =	sgt.s32 @!p0 s16, $0x7F;
	s16 =	ssub.s32 @!p0 $0x4000, s17;
	s17 =	sshll.u32 @!p0 s18, $0xE  }
0x3b: {  	p1 =	por !p1, p0;
	s18 =	sshll.u32 @!p0 s12, $0x5;
	s16 =	sand.u32 @!p0 $0x3FFFFF80, s16  }
0x3c: {  	s17 =	sand.u32 @!p0 $0x4000, s17;
	s18 =	sadd.s32 @!p0 s18, s7;
	s16 =	simm.s32 @!p1 $0x0  }
0x3d: {  	[tilespmem:s17], [sflag:$0x1] =	stream.strided.gather @!p0 [hbm4b:s18+s19], s16, s20, s19, $0x38;
	[tilespmem:$0x10000] =	vst v63  }
0x3e: {  	p0 =	sge.u32 s31, s6  }
.Ltmp2:
0x3f: {  	_ = 	snop;
	(pc) =	sbr.rel @p0 .LBB1_10-.Ltmp2, $1  }
0x40: {  	_ =	sdelay $0x3  }
0x41: {  	p0 =	sgt.s32 s11, $0xC2D0;
	s16 =	smov.u32 s11;
	s17 =	sshra.s32 s11, $0x1F  }
0x42: {  	s16 =	simm.s32 @!p0 $0xC2D0;
	s17 =	sand.u32 s17, s11  }
0x43: {  	s16 =	ssub.s32 s16, s17  }
0x44: {  	s16 =	sadd.s32 $0xFFFF3D30, s16  }
0x45: {  	s30 =	sshll.u32 s16, $0x7  }
0x46: {  	s17 =	ssub.s32 $0x4000, s30  }
0x47: {  	p0 =	sgt.s32 s16, $0x7F;
	s16 =	sand.u32 $0x3FFFFF80, s17;
	s17 =	sadd.s32 $0x80, s11  }
0x48: {  	s16 =	simm.s32 @p0 $0x0;
	p0 =	slt.s32 s17, $0xC350  }
0x49: {  	s17 =	simm.s32 @!p0 $0xC350  }
0x4a: {  	s20 =	ssub.s32 s17, s11  }
0x4b: {  	p0 =	slt.s32 s20, $0x1  }
.Ltmp3:
0x4c: {  	_ = 	snop;
	(pc) =	sbr.rel @p0 .LBB1_9-.Ltmp3, $4  }
0x4d: {  	_ = 	snop  }
0x4e: {  	s19 =	sshll.u32 s13, $0xE;
	_ =	swait.ge [sflag:s5], s16  }
0x4f: {  	s31 =	sand.u32 $0x4000, s19;
	s18 =	ssub.s32 $0x0, s16;
	[sflag:s5] =	ssyncset.done $0x0  }
0x50: {  	s17 =	sor.u32 $0x8000, s31;
	[sflag:s5] =	ssyncadd.s32 s18  }
0x51: {  	p1 =	sne.s32 s20, $0x1  }
.Ltmp4:
0x52: {  	v0 =	vmov s17;
	(pc) =	sbr.rel @!p1 .LBB1_4-.Ltmp4, $4  }
0x53: {  	_ = 	snop  }
0x54: {  	s18 =	sand.u32 $0x4000, s10  }
0x55: {  	s18 =	sor.u32 $0x40, s18  }
0x56: {  	s19 =	simm.s32 $0x0;
	s21 =	sadd.s32 $0xFFFFFFFF, s20;
	p0 =	por $0x0, $0x0;
	v1 =	vld [tilespmem:s18+$0x30]  }
0x57: {  	v4 =	vld [tilespmem:s18+$0xFFFFFFC0]  }
0x58: {  	v6 =	vld [tilespmem:s18+$0xFFFFFFD0]  }
0x59: {  	v7 =	vld [tilespmem:s18+$0xFFFFFFE0];
	p1 =	sne.s32 s21, $0x1  }
.Ltmp5:
0x5a: {  	v2 =	vld [tilespmem:s18+$0xFFFFFFF0];
	s20 =	sand.u32 $0x3F80, s19;
	(pc) =	sbr.rel @!p1 .LBB1_6-.Ltmp5, $4  }
0x5b: {  	v3 =	vld [tilespmem:s18+$0x0];
	[tilespmem:v0+s20+$0x70 ss:$0x1] =	vst.idx.msk $0xffff, v1  }
0x5c: {  	v5 =	vld [tilespmem:s18+$0x10];
	[tilespmem:v0+s20+$0x0 ss:$0x1] =	vst.idx.msk $0xffff, v4  }
0x5d: {  	v4 =	vld [tilespmem:s18+$0x20];
	[tilespmem:v0+s20+$0x10 ss:$0x1] =	vst.idx.msk $0xffff, v6;
	s18 =	sadd.s32 $0x80, s18  }
0x5e: {  	s22 =	sadd.s32 $0xFFFFFFFF, s21;
	p0 =	por $0x1, $0x1;
	s21 =	simm.s32 $0x0;
	[tilespmem:v0+s20+$0x20 ss:$0x1] =	vst.idx.msk $0xffff, v7;
	v1 =	vld [tilespmem:s18+$0x30]  }
.LBB1_7:
0x5f: {  	p1 =	sne.s32 s22, $0x1;
	v6 =	vld [tilespmem:s18+$0xFFFFFFC0];
	[tilespmem:v0+s20+$0x30 ss:$0x1] =	vst.idx.msk $0xffff, v2  }
0x60: {  	v7 =	vld [tilespmem:s18+$0xFFFFFFD0];
	[tilespmem:v0+s20+$0x40 ss:$0x1] =	vst.idx.msk $0xffff, v3  }
0x61: {  	s21 =	sadd.s32 $0x80, s21;
	v8 =	vld [tilespmem:s18+$0xFFFFFFE0];
	[tilespmem:v0+s20+$0x50 ss:$0x1] =	vst.idx.msk $0xffff, v5  }
.Ltmp6:
0x62: {  	v2 =	vld [tilespmem:s18+$0xFFFFFFF0];
	[tilespmem:v0+s20+$0x60 ss:$0x1] =	vst.idx.msk $0xffff, v4;
	s20 =	sand.u32 $0x3F80, s21;
	(pc) =	sbr.rel @p1 .LBB1_7-.Ltmp6, $4  }
0x63: {  	v3 =	vld [tilespmem:s18+$0x0];
	[tilespmem:v0+s20+$0x70 ss:$0x1] =	vst.idx.msk $0xffff, v1  }
0x64: {  	[tilespmem:v0+s20+$0x0 ss:$0x1] =	vst.idx.msk $0xffff, v6;
	v5 =	vld [tilespmem:s18+$0x10]  }
0x65: {  	[tilespmem:v0+s20+$0x10 ss:$0x1] =	vst.idx.msk $0xffff, v7;
	v4 =	vld [tilespmem:s18+$0x20];
	s18 =	sadd.s32 $0x80, s18  }
0x66: {  	s22 =	sadd.s32 $0xFFFFFFFF, s22;
	v1 =	vld [tilespmem:s18+$0x30];
	[tilespmem:v0+s20+$0x20 ss:$0x1] =	vst.idx.msk $0xffff, v8  }
.Ltmp7:
0x67: {  	_ = 	snop;
	(pc) =	sbr.rel .LBB1_8-.Ltmp7, $1  }
0x68: {  	_ =	sdelay $0x3  }
.LBB1_6:
.Ltmp8:
0x69: {  	(pc) =	sbr.rel .LBB1_8-.Ltmp8, $2  }
0x6a: {  	_ =	sdelay $0x2  }
0x6b: {  	s21 =	simm.s32 $0x0  }
.LBB1_11:
0x6c: {  	_ =	sfence.sel $0x180000  }
0x6d: {  	s2 =	simm.s32 $0x1;
	[bflag:$0x0] =	sbarrier.arrive $0xFFFF  }
0x6e: {  	s31 =	simm.s32 $0x2;
	[sflag:s2] =	ssyncpa.u1 $0x1  }
0x6f: {  	[sflag:s31] =	ssyncpa.u1 $0x1  }
0x70: {  	p0 =	sne.s32 s0, $0x0;
	_ =	strace $0x90000047  }
0x71: {  	s0 =	sadd.s32 @!p0 $0x100000, s1;
	[bflag:$0x2] =	sbarrier.arrive $0xFFFF  }
0x72: {  	[sflag:s0] =	ssyncadd.tile.s32 @!p0 $0x1;
	_ =	shalt  }
.Lfunc_end1:
_tile_overlayer_lowered:
.L_overlay_start_2:
0x73: {  	(tag) =	ssettag $0x2  }
0x74: {  	s0 =	rddreg [dreg:$0x0];
	s2 =	stileid.u32  }
0x75: {  	s1 =	rddreg [dreg:$0x1];
	p0 =	sne.s32 s2, $0x0  }
0x76: {  	s3 =	rddreg [dreg:$0x2];
	[bflag:$0x3] =	sbarrier.arrive $0xFFFF;
	s2 =	simm.s32 @!p0 $0x1C01  }
0x77: {  	[timem:s3], [sflag:s2] =	dma.local @!p0 [hbm:s0], s1  }
0x78: {  	s0 =	simm.s32 @!p0 $0x1  }
0x79: {  	_ =	swait.ge @!p0 [sflag:s0], s1  }
0x7a: {  	s1 =	ssub.s32 @!p0 $0x0, s1;
	[sflag:s0] =	ssyncset.done @!p0 $0x0  }
0x7b: {  	[sflag:s0] =	ssyncadd.s32 @!p0 s1  }
0x7c: {  	[bflag:$0x3] =	sbarrier.arrive $0xFFFF  }
0x7d: {  	_ =	shalt  }

</sc_bundles>
